<compile_context>
chip_gen: v7x
topology: tpu7x:2x2x1
jax: 0.10.2.dev20260603
libtpu: 0.0.44.dev20260713+nightly
codegen_flags: <defaults>
</compile_context>

<pallas_src>
import functools

import jax
import jax.numpy as jnp
from jax import lax
from jax.experimental import pallas as pl
from jax.experimental.pallas import tpu as pltpu
from jax.experimental.pallas import tpu_sc as plsc

VOCAB = 100000
DIM = 128
B = 4096
L = 50

NC = 2
NS = 16
NW = NC * NS
N = B * L
PER_W = N // NW
CHUNK = 128
NCHUNK = PER_W // CHUNK
NBUF = 5
NGROUP = NCHUNK // NBUF

_mesh = plsc.VectorSubcoreMesh(core_axis_name="c", subcore_axis_name="s")


@functools.partial(
    pl.kernel,
    mesh=_mesh,
    out_type=jax.ShapeDtypeStruct((L, B, DIM), jnp.float32),
    scratch_types=[
        pltpu.VMEM((NCHUNK, CHUNK), jnp.int32),
        pltpu.VMEM((NBUF, CHUNK, DIM), jnp.float32),
    ]
    + [pltpu.SemaphoreType.DMA] * NBUF,
    compiler_params=pltpu.CompilerParams(use_tc_tiling_on_sc=True),
)
def _gather_kernel(idx_hbm, table_hbm, out_hbm, idx_v, rows_v, *sems):
    wid = lax.axis_index("s") * NC + lax.axis_index("c")
    pltpu.sync_copy(idx_hbm.at[wid], idx_v)
    base = wid * PER_W

    def start_gather(j, b):
        pltpu.async_copy(table_hbm.at[idx_v.at[j]], rows_v.at[b], sems[b])

    for b in range(NBUF):
        start_gather(b, b)

    def body(g, carry):
        j0 = g * NBUF
        for b in range(NBUF):
            j = j0 + b
            pltpu.make_async_copy(
                table_hbm.at[idx_v.at[j]], rows_v.at[b], sems[b]
            ).wait()
            r = base + j * CHUNK
            pltpu.sync_copy(
                rows_v.at[b], out_hbm.at[r // B, pl.ds(lax.rem(r, B), CHUNK)]
            )

            @pl.when(j + NBUF < NCHUNK)
            def _():
                start_gather(j + NBUF, b)

        return carry

    lax.fori_loop(0, NGROUP, body, 0)


def kernel(indices, table):
    idx = indices.T.reshape(NW, NCHUNK, CHUNK)
    out = _gather_kernel(idx, table)
    return out.transpose(1, 0, 2)

# --- scband reference (transcript-rebuilt; emitter-appended) ---
"""Pipeline reference for scband-decoder-base-36197984370727 (READ-ONLY COPY).

The authoritative reference and input builder live on the scoring server;
editing this copy changes nothing except your own understanding.
"""

import jax, jax.numpy as jnp
import numpy as np

VOCAB = 100000
DIM = 128
B = 4096
L = 50


def setup_inputs(seed: int = 0) -> dict:
    key = jax.random.key(seed)
    k1, k2 = jax.random.split(key)
    indices = jax.random.randint(k1, (B, L), 0, VOCAB, dtype=jnp.int32)
    table = jax.random.normal(k2, (VOCAB, DIM), dtype=jnp.float32) * 0.02
    return {"indices": indices, "table": table}


def reference(indices, table):
    # decoder_base embedding lookup: self.embed(indices)
    # dropout is identity in eval mode
    out = jnp.take(table, indices, axis=0)
    return out

if __name__ == "__main__":
    import jax
    _d = setup_inputs()
    print(jax.jit(kernel)(*tuple(_d.values())))

</pallas_src>

<mosaic_0001>
#map = affine_map<(d0, d1) -> (0, 0, 0)>
#map1 = affine_map<(d0, d1) -> (0, 0)>
module attributes {stable_mosaic.version = 14 : i64} {
  func.func @_gather_kernel(%arg0: i32, %arg1: i32, %arg2: memref<32x50x128xi32, #tpu.memory_space<hbm>>, %arg3: memref<100000x128xf32, #tpu.memory_space<hbm>>, %arg4: memref<50x4096x128xf32, #tpu.memory_space<hbm>>, %arg5: memref<50x128xi32, #tpu.memory_space<vmem>>, %arg6: memref<5x128x128xf32, #tpu.memory_space<vmem>>, %arg7: memref<!tpu.dma_semaphore, #tpu.memory_space<semaphore_mem>>, %arg8: memref<!tpu.dma_semaphore, #tpu.memory_space<semaphore_mem>>, %arg9: memref<!tpu.dma_semaphore, #tpu.memory_space<semaphore_mem>>, %arg10: memref<!tpu.dma_semaphore, #tpu.memory_space<semaphore_mem>>, %arg11: memref<!tpu.dma_semaphore, #tpu.memory_space<semaphore_mem>>) attributes {dimension_semantics = [#tpu.dimension_semantics<core_parallel>, #tpu.dimension_semantics<subcore_parallel>], iteration_bounds = array<i64: 2, 16>, scalar_prefetch = 0 : i64, scratch_operands = 7 : i64, tpu.core_type = #tpu.core_type<sc_vector_subcore>, window_params = [{transform_indices = #map}, {transform_indices = #map1}, {transform_indices = #map}]} {
    %mul3A = arith.constant 2 : i32
    %mul3A_0 = arith.muli %arg1, %mul3A : i32
    %add3A = arith.addi %mul3A_0, %arg0 : i32
    "tpu.region"() ({
      %run_scoped3A = tpu.sem_alloc : memref<!tpu.dma_semaphore, #tpu.memory_space<semaphore_mem>>
      %dma_start3A_67 = arith.constant 0 : i32
      %dma_start3A_68 = arith.constant 0 : i32
      %dma_start3A_69 = tpu.memref_slice %arg2[%add3A, %dma_start3A_67, %dma_start3A_68] : memref<32x50x128xi32, #tpu.memory_space<hbm>> -> memref<1x50x128xi32, #tpu.memory_space<hbm>>
      %dma_start3A_70 = tpu.memref_squeeze %dma_start3A_69 : memref<1x50x128xi32, #tpu.memory_space<hbm>> -> memref<50x128xi32, #tpu.memory_space<hbm>>
      %dma_start3A_71 = arith.constant 0 : i32
      %dma_start3A_72 = arith.constant 0 : i32
      %dma_start3A_73 = tpu.memref_slice %arg2[%add3A, %dma_start3A_71, %dma_start3A_72] : memref<32x50x128xi32, #tpu.memory_space<hbm>> -> memref<1x50x128xi32, #tpu.memory_space<hbm>>
      %dma_start3A_74 = tpu.memref_squeeze %dma_start3A_73 : memref<1x50x128xi32, #tpu.memory_space<hbm>> -> memref<50x128xi32, #tpu.memory_space<hbm>>
      tpu.enqueue_dma source(%dma_start3A_74 : memref<50x128xi32, #tpu.memory_space<hbm>>) target(%arg5 : memref<50x128xi32, #tpu.memory_space<vmem>>) target_semaphore(%run_scoped3A : memref<!tpu.dma_semaphore, #tpu.memory_space<semaphore_mem>>)
      %dma_wait3A = arith.constant 0 : i32
      %dma_wait3A_75 = arith.constant 0 : i32
      %dma_wait3A_76 = tpu.memref_slice %arg2[%add3A, %dma_wait3A, %dma_wait3A_75] : memref<32x50x128xi32, #tpu.memory_space<hbm>> -> memref<1x50x128xi32, #tpu.memory_space<hbm>>
      %dma_wait3A_77 = tpu.memref_squeeze %dma_wait3A_76 : memref<1x50x128xi32, #tpu.memory_space<hbm>> -> memref<50x128xi32, #tpu.memory_space<hbm>>
      %dma_wait3A_78 = arith.constant 0 : i32
      %dma_wait3A_79 = arith.constant 0 : i32
      %dma_wait3A_80 = tpu.memref_slice %arg2[%add3A, %dma_wait3A_78, %dma_wait3A_79] : memref<32x50x128xi32, #tpu.memory_space<hbm>> -> memref<1x50x128xi32, #tpu.memory_space<hbm>>
      %dma_wait3A_81 = tpu.memref_squeeze %dma_wait3A_80 : memref<1x50x128xi32, #tpu.memory_space<hbm>> -> memref<50x128xi32, #tpu.memory_space<hbm>>
      tpu.wait_dma2 semaphore(%run_scoped3A : memref<!tpu.dma_semaphore, #tpu.memory_space<semaphore_mem>>) src(%dma_wait3A_81 : memref<50x128xi32, #tpu.memory_space<hbm>>) dst(%arg5 : memref<50x128xi32, #tpu.memory_space<vmem>>)
      tpu.yield
    }) : () -> ()
    %mul3A_1 = arith.constant 6400 : i32
    %mul3A_2 = arith.muli %add3A, %mul3A_1 : i32
    %dma_start3A = arith.constant 0 : i32
    %dma_start3A_3 = arith.constant 0 : i32
    %dma_start3A_4 = arith.constant 0 : i32
    %dma_start3A_5 = arith.constant 0 : i32
    %dma_start3A_6 = tpu.memref_slice %arg6[%dma_start3A_3, %dma_start3A_4, %dma_start3A_5] : memref<5x128x128xf32, #tpu.memory_space<vmem>> -> memref<1x128x128xf32, #tpu.memory_space<vmem>>
    %dma_start3A_7 = tpu.memref_squeeze %dma_start3A_6 : memref<1x128x128xf32, #tpu.memory_space<vmem>> -> memref<128x128xf32, #tpu.memory_space<vmem>>
    %dma_start3A_8 = arith.constant 0 : i32
    %dma_start3A_9 = tpu.memref_slice %arg5[%dma_start3A, %dma_start3A_8] : memref<50x128xi32, #tpu.memory_space<vmem>> -> memref<1x128xi32, #tpu.memory_space<vmem>>
    %dma_start3A_10 = tpu.memref_squeeze %dma_start3A_9 : memref<1x128xi32, #tpu.memory_space<vmem>> -> memref<128xi32, #tpu.memory_space<vmem>>
    %dma_start3A_11 = arith.constant 0 : i32
    %dma_start3A_12 = arith.constant 0 : i32
    %dma_start3A_13 = tpu.memref_slice %arg3[%dma_start3A_11, %dma_start3A_12] : memref<100000x128xf32, #tpu.memory_space<hbm>> -> memref<100000x128xf32, #tpu.memory_space<hbm>>
    tpu.enqueue_indirect_dma source(%dma_start3A_13 : memref<100000x128xf32, #tpu.memory_space<hbm>>) target(%dma_start3A_7 : memref<128x128xf32, #tpu.memory_space<vmem>>) offsets(%dma_start3A_10 : memref<128xi32, #tpu.memory_space<vmem>>) semaphore(%arg7 : memref<!tpu.dma_semaphore, #tpu.memory_space<semaphore_mem>>)
    %dma_start3A_14 = arith.constant 1 : i32
    %dma_start3A_15 = arith.constant 1 : i32
    %dma_start3A_16 = arith.constant 0 : i32
    %dma_start3A_17 = arith.constant 0 : i32
    %dma_start3A_18 = tpu.memref_slice %arg6[%dma_start3A_15, %dma_start3A_16, %dma_start3A_17] : memref<5x128x128xf32, #tpu.memory_space<vmem>> -> memref<1x128x128xf32, #tpu.memory_space<vmem>>
    %dma_start3A_19 = tpu.memref_squeeze %dma_start3A_18 : memref<1x128x128xf32, #tpu.memory_space<vmem>> -> memref<128x128xf32, #tpu.memory_space<vmem>>
    %dma_start3A_20 = arith.constant 0 : i32
    %dma_start3A_21 = tpu.memref_slice %arg5[%dma_start3A_14, %dma_start3A_20] : memref<50x128xi32, #tpu.memory_space<vmem>> -> memref<1x128xi32, #tpu.memory_space<vmem>>
    %dma_start3A_22 = tpu.memref_squeeze %dma_start3A_21 : memref<1x128xi32, #tpu.memory_space<vmem>> -> memref<128xi32, #tpu.memory_space<vmem>>
    %dma_start3A_23 = arith.constant 0 : i32
    %dma_start3A_24 = arith.constant 0 : i32
    %dma_start3A_25 = tpu.memref_slice %arg3[%dma_start3A_23, %dma_start3A_24] : memref<100000x128xf32, #tpu.memory_space<hbm>> -> memref<100000x128xf32, #tpu.memory_space<hbm>>
    tpu.enqueue_indirect_dma source(%dma_start3A_25 : memref<100000x128xf32, #tpu.memory_space<hbm>>) target(%dma_start3A_19 : memref<128x128xf32, #tpu.memory_space<vmem>>) offsets(%dma_start3A_22 : memref<128xi32, #tpu.memory_space<vmem>>) semaphore(%arg8 : memref<!tpu.dma_semaphore, #tpu.memory_space<semaphore_mem>>)
    %dma_start3A_26 = arith.constant 2 : i32
    %dma_start3A_27 = arith.constant 2 : i32
    %dma_start3A_28 = arith.constant 0 : i32
    %dma_start3A_29 = arith.constant 0 : i32
    %dma_start3A_30 = tpu.memref_slice %arg6[%dma_start3A_27, %dma_start3A_28, %dma_start3A_29] : memref<5x128x128xf32, #tpu.memory_space<vmem>> -> memref<1x128x128xf32, #tpu.memory_space<vmem>>
    %dma_start3A_31 = tpu.memref_squeeze %dma_start3A_30 : memref<1x128x128xf32, #tpu.memory_space<vmem>> -> memref<128x128xf32, #tpu.memory_space<vmem>>
    %dma_start3A_32 = arith.constant 0 : i32
    %dma_start3A_33 = tpu.memref_slice %arg5[%dma_start3A_26, %dma_start3A_32] : memref<50x128xi32, #tpu.memory_space<vmem>> -> memref<1x128xi32, #tpu.memory_space<vmem>>
    %dma_start3A_34 = tpu.memref_squeeze %dma_start3A_33 : memref<1x128xi32, #tpu.memory_space<vmem>> -> memref<128xi32, #tpu.memory_space<vmem>>
    %dma_start3A_35 = arith.constant 0 : i32
    %dma_start3A_36 = arith.constant 0 : i32
    %dma_start3A_37 = tpu.memref_slice %arg3[%dma_start3A_35, %dma_start3A_36] : memref<100000x128xf32, #tpu.memory_space<hbm>> -> memref<100000x128xf32, #tpu.memory_space<hbm>>
    tpu.enqueue_indirect_dma source(%dma_start3A_37 : memref<100000x128xf32, #tpu.memory_space<hbm>>) target(%dma_start3A_31 : memref<128x128xf32, #tpu.memory_space<vmem>>) offsets(%dma_start3A_34 : memref<128xi32, #tpu.memory_space<vmem>>) semaphore(%arg9 : memref<!tpu.dma_semaphore, #tpu.memory_space<semaphore_mem>>)
    %dma_start3A_38 = arith.constant 3 : i32
    %dma_start3A_39 = arith.constant 3 : i32
    %dma_start3A_40 = arith.constant 0 : i32
    %dma_start3A_41 = arith.constant 0 : i32
    %dma_start3A_42 = tpu.memref_slice %arg6[%dma_start3A_39, %dma_start3A_40, %dma_start3A_41] : memref<5x128x128xf32, #tpu.memory_space<vmem>> -> memref<1x128x128xf32, #tpu.memory_space<vmem>>
    %dma_start3A_43 = tpu.memref_squeeze %dma_start3A_42 : memref<1x128x128xf32, #tpu.memory_space<vmem>> -> memref<128x128xf32, #tpu.memory_space<vmem>>
    %dma_start3A_44 = arith.constant 0 : i32
    %dma_start3A_45 = tpu.memref_slice %arg5[%dma_start3A_38, %dma_start3A_44] : memref<50x128xi32, #tpu.memory_space<vmem>> -> memref<1x128xi32, #tpu.memory_space<vmem>>
    %dma_start3A_46 = tpu.memref_squeeze %dma_start3A_45 : memref<1x128xi32, #tpu.memory_space<vmem>> -> memref<128xi32, #tpu.memory_space<vmem>>
    %dma_start3A_47 = arith.constant 0 : i32
    %dma_start3A_48 = arith.constant 0 : i32
    %dma_start3A_49 = tpu.memref_slice %arg3[%dma_start3A_47, %dma_start3A_48] : memref<100000x128xf32, #tpu.memory_space<hbm>> -> memref<100000x128xf32, #tpu.memory_space<hbm>>
    tpu.enqueue_indirect_dma source(%dma_start3A_49 : memref<100000x128xf32, #tpu.memory_space<hbm>>) target(%dma_start3A_43 : memref<128x128xf32, #tpu.memory_space<vmem>>) offsets(%dma_start3A_46 : memref<128xi32, #tpu.memory_space<vmem>>) semaphore(%arg10 : memref<!tpu.dma_semaphore, #tpu.memory_space<semaphore_mem>>)
    %dma_start3A_50 = arith.constant 4 : i32
    %dma_start3A_51 = arith.constant 4 : i32
    %dma_start3A_52 = arith.constant 0 : i32
    %dma_start3A_53 = arith.constant 0 : i32
    %dma_start3A_54 = tpu.memref_slice %arg6[%dma_start3A_51, %dma_start3A_52, %dma_start3A_53] : memref<5x128x128xf32, #tpu.memory_space<vmem>> -> memref<1x128x128xf32, #tpu.memory_space<vmem>>
    %dma_start3A_55 = tpu.memref_squeeze %dma_start3A_54 : memref<1x128x128xf32, #tpu.memory_space<vmem>> -> memref<128x128xf32, #tpu.memory_space<vmem>>
    %dma_start3A_56 = arith.constant 0 : i32
    %dma_start3A_57 = tpu.memref_slice %arg5[%dma_start3A_50, %dma_start3A_56] : memref<50x128xi32, #tpu.memory_space<vmem>> -> memref<1x128xi32, #tpu.memory_space<vmem>>
    %dma_start3A_58 = tpu.memref_squeeze %dma_start3A_57 : memref<1x128xi32, #tpu.memory_space<vmem>> -> memref<128xi32, #tpu.memory_space<vmem>>
    %dma_start3A_59 = arith.constant 0 : i32
    %dma_start3A_60 = arith.constant 0 : i32
    %dma_start3A_61 = tpu.memref_slice %arg3[%dma_start3A_59, %dma_start3A_60] : memref<100000x128xf32, #tpu.memory_space<hbm>> -> memref<100000x128xf32, #tpu.memory_space<hbm>>
    tpu.enqueue_indirect_dma source(%dma_start3A_61 : memref<100000x128xf32, #tpu.memory_space<hbm>>) target(%dma_start3A_55 : memref<128x128xf32, #tpu.memory_space<vmem>>) offsets(%dma_start3A_58 : memref<128xi32, #tpu.memory_space<vmem>>) semaphore(%arg11 : memref<!tpu.dma_semaphore, #tpu.memory_space<semaphore_mem>>)
    %scan3A = arith.constant 0 : i32
    %scan3A_62 = arith.constant 0 : i32
    %scan3A_63 = arith.constant 10 : i32
    %scan3A_64 = arith.addi %scan3A_62, %scan3A_63 : i32
    %scan3A_65 = arith.constant 1 : i32
    scf.for %scan3A_67 = %scan3A_62 to %scan3A_64 step %scan3A_65  : i32 {
      %mul3A_68 = arith.constant 5 : i32
      %mul3A_69 = arith.muli %scan3A_67, %mul3A_68 : i32
      %add3A_70 = arith.constant 0 : i32
      %add3A_71 = arith.addi %mul3A_69, %add3A_70 : i32
      %dma_wait3A = arith.constant 0 : i32
      %dma_wait3A_72 = arith.constant 0 : i32
      %dma_wait3A_73 = arith.constant 0 : i32
      %dma_wait3A_74 = tpu.memref_slice %arg6[%dma_wait3A, %dma_wait3A_72, %dma_wait3A_73] : memref<5x128x128xf32, #tpu.memory_space<vmem>> -> memref<1x128x128xf32, #tpu.memory_space<vmem>>
      %dma_wait3A_75 = tpu.memref_squeeze %dma_wait3A_74 : memref<1x128x128xf32, #tpu.memory_space<vmem>> -> memref<128x128xf32, #tpu.memory_space<vmem>>
      %dma_wait3A_76 = arith.constant 0 : i32
      %dma_wait3A_77 = tpu.memref_slice %arg5[%add3A_71, %dma_wait3A_76] : memref<50x128xi32, #tpu.memory_space<vmem>> -> memref<1x128xi32, #tpu.memory_space<vmem>>
      %dma_wait3A_78 = tpu.memref_squeeze %dma_wait3A_77 : memref<1x128xi32, #tpu.memory_space<vmem>> -> memref<128xi32, #tpu.memory_space<vmem>>
      %dma_wait3A_79 = arith.constant 0 : i32
      %dma_wait3A_80 = arith.constant 0 : i32
      %dma_wait3A_81 = tpu.memref_slice %arg3[%dma_wait3A_79, %dma_wait3A_80] : memref<100000x128xf32, #tpu.memory_space<hbm>> -> memref<100000x128xf32, #tpu.memory_space<hbm>>
      tpu.wait_indirect_dma semaphore(%arg7 : memref<!tpu.dma_semaphore, #tpu.memory_space<semaphore_mem>>) src(%dma_wait3A_81 : memref<100000x128xf32, #tpu.memory_space<hbm>>) dst(%dma_wait3A_75 : memref<128x128xf32, #tpu.memory_space<vmem>>)
      %mul3A_82 = arith.constant 128 : i32
      %mul3A_83 = arith.muli %add3A_71, %mul3A_82 : i32
      %add3A_84 = arith.addi %mul3A_2, %mul3A_83 : i32
      %jit3A = arith.constant 4096 : i32
      %div3A = arith.divsi %add3A_84, %jit3A : i32
      %sign3A = arith.constant 0 : i32
      %sign3A_85 = arith.cmpi sgt, %add3A_84, %sign3A : i32
      %sign3A_86 = arith.extui %sign3A_85 : i1 to i32
      %sign3A_87 = arith.constant 0 : i32
      %sign3A_88 = arith.cmpi slt, %add3A_84, %sign3A_87 : i32
      %sign3A_89 = arith.extui %sign3A_88 : i1 to i32
      %sign3A_90 = arith.subi %sign3A_86, %sign3A_89 : i32
      %sign3A_91 = arith.constant 0 : i32
      %sign3A_92 = arith.cmpi sgt, %jit3A, %sign3A_91 : i32
      %sign3A_93 = arith.extui %sign3A_92 : i1 to i32
      %sign3A_94 = arith.constant 0 : i32
      %sign3A_95 = arith.cmpi slt, %jit3A, %sign3A_94 : i32
      %sign3A_96 = arith.extui %sign3A_95 : i1 to i32
      %sign3A_97 = arith.subi %sign3A_93, %sign3A_96 : i32
      %ne3A = arith.cmpi ne, %sign3A_90, %sign3A_97 : i32
      %rem3A = arith.remsi %add3A_84, %jit3A : i32
      %ne3A_98 = arith.constant 0 : i32
      %ne3A_99 = arith.cmpi ne, %rem3A, %ne3A_98 : i32
      %and3A = arith.andi %ne3A, %ne3A_99 : i1
      %sub3A = arith.constant 1 : i32
      %sub3A_100 = arith.subi %div3A, %sub3A : i32
      %select_n3A = arith.select %and3A, %sub3A_100, %div3A : i32
      %rem3A_101 = arith.constant 4096 : i32
      %rem3A_102 = arith.remsi %add3A_84, %rem3A_101 : i32
      %run_scoped3A = arith.constant 0 : i32
      "tpu.region"() ({
        %run_scoped3A_307 = tpu.sem_alloc : memref<!tpu.dma_semaphore, #tpu.memory_space<semaphore_mem>>
        %dma_start3A_308 = arith.constant 0 : i32
        %dma_start3A_309 = arith.constant 0 : i32
        %dma_start3A_310 = tpu.memref_slice %arg6[%run_scoped3A, %dma_start3A_308, %dma_start3A_309] : memref<5x128x128xf32, #tpu.memory_space<vmem>> -> memref<1x128x128xf32, #tpu.memory_space<vmem>>
        %dma_start3A_311 = tpu.memref_squeeze %dma_start3A_310 : memref<1x128x128xf32, #tpu.memory_space<vmem>> -> memref<128x128xf32, #tpu.memory_space<vmem>>
        %dma_start3A_312 = arith.constant 0 : i32
        %dma_start3A_313 = tpu.memref_slice %arg4[%select_n3A, %rem3A_102, %dma_start3A_312] : memref<50x4096x128xf32, #tpu.memory_space<hbm>> -> memref<1x128x128xf32, #tpu.memory_space<hbm>>
        %dma_start3A_314 = tpu.memref_squeeze %dma_start3A_313 : memref<1x128x128xf32, #tpu.memory_space<hbm>> -> memref<128x128xf32, #tpu.memory_space<hbm>>
        %dma_start3A_315 = arith.constant 0 : i32
        %dma_start3A_316 = tpu.memref_slice %arg4[%select_n3A, %rem3A_102, %dma_start3A_315] : memref<50x4096x128xf32, #tpu.memory_space<hbm>> -> memref<1x128x128xf32, #tpu.memory_space<hbm>>
        %dma_start3A_317 = tpu.memref_squeeze %dma_start3A_316 : memref<1x128x128xf32, #tpu.memory_space<hbm>> -> memref<128x128xf32, #tpu.memory_space<hbm>>
        %dma_start3A_318 = arith.constant 0 : i32
        %dma_start3A_319 = arith.constant 0 : i32
        %dma_start3A_320 = tpu.memref_slice %arg6[%run_scoped3A, %dma_start3A_318, %dma_start3A_319] : memref<5x128x128xf32, #tpu.memory_space<vmem>> -> memref<1x128x128xf32, #tpu.memory_space<vmem>>
        %dma_start3A_321 = tpu.memref_squeeze %dma_start3A_320 : memref<1x128x128xf32, #tpu.memory_space<vmem>> -> memref<128x128xf32, #tpu.memory_space<vmem>>
        tpu.enqueue_dma source(%dma_start3A_321 : memref<128x128xf32, #tpu.memory_space<vmem>>) target(%dma_start3A_317 : memref<128x128xf32, #tpu.memory_space<hbm>>) target_semaphore(%run_scoped3A_307 : memref<!tpu.dma_semaphore, #tpu.memory_space<semaphore_mem>>)
        %dma_wait3A_322 = arith.constant 0 : i32
        %dma_wait3A_323 = arith.constant 0 : i32
        %dma_wait3A_324 = tpu.memref_slice %arg6[%run_scoped3A, %dma_wait3A_322, %dma_wait3A_323] : memref<5x128x128xf32, #tpu.memory_space<vmem>> -> memref<1x128x128xf32, #tpu.memory_space<vmem>>
        %dma_wait3A_325 = tpu.memref_squeeze %dma_wait3A_324 : memref<1x128x128xf32, #tpu.memory_space<vmem>> -> memref<128x128xf32, #tpu.memory_space<vmem>>
        %dma_wait3A_326 = arith.constant 0 : i32
        %dma_wait3A_327 = tpu.memref_slice %arg4[%select_n3A, %rem3A_102, %dma_wait3A_326] : memref<50x4096x128xf32, #tpu.memory_space<hbm>> -> memref<1x128x128xf32, #tpu.memory_space<hbm>>
        %dma_wait3A_328 = tpu.memref_squeeze %dma_wait3A_327 : memref<1x128x128xf32, #tpu.memory_space<hbm>> -> memref<128x128xf32, #tpu.memory_space<hbm>>
        %dma_wait3A_329 = arith.constant 0 : i32
        %dma_wait3A_330 = tpu.memref_slice %arg4[%select_n3A, %rem3A_102, %dma_wait3A_329] : memref<50x4096x128xf32, #tpu.memory_space<hbm>> -> memref<1x128x128xf32, #tpu.memory_space<hbm>>
        %dma_wait3A_331 = tpu.memref_squeeze %dma_wait3A_330 : memref<1x128x128xf32, #tpu.memory_space<hbm>> -> memref<128x128xf32, #tpu.memory_space<hbm>>
        %dma_wait3A_332 = arith.constant 0 : i32
        %dma_wait3A_333 = arith.constant 0 : i32
        %dma_wait3A_334 = tpu.memref_slice %arg6[%run_scoped3A, %dma_wait3A_332, %dma_wait3A_333] : memref<5x128x128xf32, #tpu.memory_space<vmem>> -> memref<1x128x128xf32, #tpu.memory_space<vmem>>
        %dma_wait3A_335 = tpu.memref_squeeze %dma_wait3A_334 : memref<1x128x128xf32, #tpu.memory_space<vmem>> -> memref<128x128xf32, #tpu.memory_space<vmem>>
        tpu.wait_dma2 semaphore(%run_scoped3A_307 : memref<!tpu.dma_semaphore, #tpu.memory_space<semaphore_mem>>) src(%dma_wait3A_335 : memref<128x128xf32, #tpu.memory_space<vmem>>) dst(%dma_wait3A_331 : memref<128x128xf32, #tpu.memory_space<hbm>>)
        tpu.yield
      }) : () -> ()
      %add3A_103 = arith.constant 5 : i32
      %add3A_104 = arith.addi %add3A_71, %add3A_103 : i32
      %lt3A = arith.constant 50 : i32
      %lt3A_105 = arith.cmpi slt, %add3A_104, %lt3A : i32
      %convert_element_type3A = arith.extui %lt3A_105 : i1 to i32
      %cond3A = arith.constant 0 : i32
      %cond3A_106 = arith.cmpi ne, %convert_element_type3A, %cond3A : i32
      scf.if %cond3A_106 {
        %add3A_307 = arith.constant 5 : i32
        %add3A_308 = arith.addi %add3A_71, %add3A_307 : i32
        %dma_start3A_309 = arith.constant 0 : i32
        %dma_start3A_310 = arith.constant 0 : i32
        %dma_start3A_311 = arith.constant 0 : i32
        %dma_start3A_312 = tpu.memref_slice %arg6[%dma_start3A_309, %dma_start3A_310, %dma_start3A_311] : memref<5x128x128xf32, #tpu.memory_space<vmem>> -> memref<1x128x128xf32, #tpu.memory_space<vmem>>
        %dma_start3A_313 = tpu.memref_squeeze %dma_start3A_312 : memref<1x128x128xf32, #tpu.memory_space<vmem>> -> memref<128x128xf32, #tpu.memory_space<vmem>>
        %dma_start3A_314 = arith.constant 0 : i32
        %dma_start3A_315 = tpu.memref_slice %arg5[%add3A_308, %dma_start3A_314] : memref<50x128xi32, #tpu.memory_space<vmem>> -> memref<1x128xi32, #tpu.memory_space<vmem>>
        %dma_start3A_316 = tpu.memref_squeeze %dma_start3A_315 : memref<1x128xi32, #tpu.memory_space<vmem>> -> memref<128xi32, #tpu.memory_space<vmem>>
        %dma_start3A_317 = arith.constant 0 : i32
        %dma_start3A_318 = arith.constant 0 : i32
        %dma_start3A_319 = tpu.memref_slice %arg3[%dma_start3A_317, %dma_start3A_318] : memref<100000x128xf32, #tpu.memory_space<hbm>> -> memref<100000x128xf32, #tpu.memory_space<hbm>>
        tpu.enqueue_indirect_dma source(%dma_start3A_319 : memref<100000x128xf32, #tpu.memory_space<hbm>>) target(%dma_start3A_313 : memref<128x128xf32, #tpu.memory_space<vmem>>) offsets(%dma_start3A_316 : memref<128xi32, #tpu.memory_space<vmem>>) semaphore(%arg7 : memref<!tpu.dma_semaphore, #tpu.memory_space<semaphore_mem>>)
      } else {
      }
      %add3A_107 = arith.constant 1 : i32
      %add3A_108 = arith.addi %mul3A_69, %add3A_107 : i32
      %dma_wait3A_109 = arith.constant 1 : i32
      %dma_wait3A_110 = arith.constant 0 : i32
      %dma_wait3A_111 = arith.constant 0 : i32
      %dma_wait3A_112 = tpu.memref_slice %arg6[%dma_wait3A_109, %dma_wait3A_110, %dma_wait3A_111] : memref<5x128x128xf32, #tpu.memory_space<vmem>> -> memref<1x128x128xf32, #tpu.memory_space<vmem>>
      %dma_wait3A_113 = tpu.memref_squeeze %dma_wait3A_112 : memref<1x128x128xf32, #tpu.memory_space<vmem>> -> memref<128x128xf32, #tpu.memory_space<vmem>>
      %dma_wait3A_114 = arith.constant 0 : i32
      %dma_wait3A_115 = tpu.memref_slice %arg5[%add3A_108, %dma_wait3A_114] : memref<50x128xi32, #tpu.memory_space<vmem>> -> memref<1x128xi32, #tpu.memory_space<vmem>>
      %dma_wait3A_116 = tpu.memref_squeeze %dma_wait3A_115 : memref<1x128xi32, #tpu.memory_space<vmem>> -> memref<128xi32, #tpu.memory_space<vmem>>
      %dma_wait3A_117 = arith.constant 0 : i32
      %dma_wait3A_118 = arith.constant 0 : i32
      %dma_wait3A_119 = tpu.memref_slice %arg3[%dma_wait3A_117, %dma_wait3A_118] : memref<100000x128xf32, #tpu.memory_space<hbm>> -> memref<100000x128xf32, #tpu.memory_space<hbm>>
      tpu.wait_indirect_dma semaphore(%arg8 : memref<!tpu.dma_semaphore, #tpu.memory_space<semaphore_mem>>) src(%dma_wait3A_119 : memref<100000x128xf32, #tpu.memory_space<hbm>>) dst(%dma_wait3A_113 : memref<128x128xf32, #tpu.memory_space<vmem>>)
      %mul3A_120 = arith.constant 128 : i32
      %mul3A_121 = arith.muli %add3A_108, %mul3A_120 : i32
      %add3A_122 = arith.addi %mul3A_2, %mul3A_121 : i32
      %jit3A_123 = arith.constant 4096 : i32
      %div3A_124 = arith.divsi %add3A_122, %jit3A_123 : i32
      %sign3A_125 = arith.constant 0 : i32
      %sign3A_126 = arith.cmpi sgt, %add3A_122, %sign3A_125 : i32
      %sign3A_127 = arith.extui %sign3A_126 : i1 to i32
      %sign3A_128 = arith.constant 0 : i32
      %sign3A_129 = arith.cmpi slt, %add3A_122, %sign3A_128 : i32
      %sign3A_130 = arith.extui %sign3A_129 : i1 to i32
      %sign3A_131 = arith.subi %sign3A_127, %sign3A_130 : i32
      %sign3A_132 = arith.constant 0 : i32
      %sign3A_133 = arith.cmpi sgt, %jit3A_123, %sign3A_132 : i32
      %sign3A_134 = arith.extui %sign3A_133 : i1 to i32
      %sign3A_135 = arith.constant 0 : i32
      %sign3A_136 = arith.cmpi slt, %jit3A_123, %sign3A_135 : i32
      %sign3A_137 = arith.extui %sign3A_136 : i1 to i32
      %sign3A_138 = arith.subi %sign3A_134, %sign3A_137 : i32
      %ne3A_139 = arith.cmpi ne, %sign3A_131, %sign3A_138 : i32
      %rem3A_140 = arith.remsi %add3A_122, %jit3A_123 : i32
      %ne3A_141 = arith.constant 0 : i32
      %ne3A_142 = arith.cmpi ne, %rem3A_140, %ne3A_141 : i32
      %and3A_143 = arith.andi %ne3A_139, %ne3A_142 : i1
      %sub3A_144 = arith.constant 1 : i32
      %sub3A_145 = arith.subi %div3A_124, %sub3A_144 : i32
      %select_n3A_146 = arith.select %and3A_143, %sub3A_145, %div3A_124 : i32
      %rem3A_147 = arith.constant 4096 : i32
      %rem3A_148 = arith.remsi %add3A_122, %rem3A_147 : i32
      %run_scoped3A_149 = arith.constant 1 : i32
      "tpu.region"() ({
        %run_scoped3A_307 = tpu.sem_alloc : memref<!tpu.dma_semaphore, #tpu.memory_space<semaphore_mem>>
        %dma_start3A_308 = arith.constant 0 : i32
        %dma_start3A_309 = arith.constant 0 : i32
        %dma_start3A_310 = tpu.memref_slice %arg6[%run_scoped3A_149, %dma_start3A_308, %dma_start3A_309] : memref<5x128x128xf32, #tpu.memory_space<vmem>> -> memref<1x128x128xf32, #tpu.memory_space<vmem>>
        %dma_start3A_311 = tpu.memref_squeeze %dma_start3A_310 : memref<1x128x128xf32, #tpu.memory_space<vmem>> -> memref<128x128xf32, #tpu.memory_space<vmem>>
        %dma_start3A_312 = arith.constant 0 : i32
        %dma_start3A_313 = tpu.memref_slice %arg4[%select_n3A_146, %rem3A_148, %dma_start3A_312] : memref<50x4096x128xf32, #tpu.memory_space<hbm>> -> memref<1x128x128xf32, #tpu.memory_space<hbm>>
        %dma_start3A_314 = tpu.memref_squeeze %dma_start3A_313 : memref<1x128x128xf32, #tpu.memory_space<hbm>> -> memref<128x128xf32, #tpu.memory_space<hbm>>
        %dma_start3A_315 = arith.constant 0 : i32
        %dma_start3A_316 = tpu.memref_slice %arg4[%select_n3A_146, %rem3A_148, %dma_start3A_315] : memref<50x4096x128xf32, #tpu.memory_space<hbm>> -> memref<1x128x128xf32, #tpu.memory_space<hbm>>
        %dma_start3A_317 = tpu.memref_squeeze %dma_start3A_316 : memref<1x128x128xf32, #tpu.memory_space<hbm>> -> memref<128x128xf32, #tpu.memory_space<hbm>>
        %dma_start3A_318 = arith.constant 0 : i32
        %dma_start3A_319 = arith.constant 0 : i32
        %dma_start3A_320 = tpu.memref_slice %arg6[%run_scoped3A_149, %dma_start3A_318, %dma_start3A_319] : memref<5x128x128xf32, #tpu.memory_space<vmem>> -> memref<1x128x128xf32, #tpu.memory_space<vmem>>
        %dma_start3A_321 = tpu.memref_squeeze %dma_start3A_320 : memref<1x128x128xf32, #tpu.memory_space<vmem>> -> memref<128x128xf32, #tpu.memory_space<vmem>>
        tpu.enqueue_dma source(%dma_start3A_321 : memref<128x128xf32, #tpu.memory_space<vmem>>) target(%dma_start3A_317 : memref<128x128xf32, #tpu.memory_space<hbm>>) target_semaphore(%run_scoped3A_307 : memref<!tpu.dma_semaphore, #tpu.memory_space<semaphore_mem>>)
        %dma_wait3A_322 = arith.constant 0 : i32
        %dma_wait3A_323 = arith.constant 0 : i32
        %dma_wait3A_324 = tpu.memref_slice %arg6[%run_scoped3A_149, %dma_wait3A_322, %dma_wait3A_323] : memref<5x128x128xf32, #tpu.memory_space<vmem>> -> memref<1x128x128xf32, #tpu.memory_space<vmem>>
        %dma_wait3A_325 = tpu.memref_squeeze %dma_wait3A_324 : memref<1x128x128xf32, #tpu.memory_space<vmem>> -> memref<128x128xf32, #tpu.memory_space<vmem>>
        %dma_wait3A_326 = arith.constant 0 : i32
        %dma_wait3A_327 = tpu.memref_slice %arg4[%select_n3A_146, %rem3A_148, %dma_wait3A_326] : memref<50x4096x128xf32, #tpu.memory_space<hbm>> -> memref<1x128x128xf32, #tpu.memory_space<hbm>>
        %dma_wait3A_328 = tpu.memref_squeeze %dma_wait3A_327 : memref<1x128x128xf32, #tpu.memory_space<hbm>> -> memref<128x128xf32, #tpu.memory_space<hbm>>
        %dma_wait3A_329 = arith.constant 0 : i32
        %dma_wait3A_330 = tpu.memref_slice %arg4[%select_n3A_146, %rem3A_148, %dma_wait3A_329] : memref<50x4096x128xf32, #tpu.memory_space<hbm>> -> memref<1x128x128xf32, #tpu.memory_space<hbm>>
        %dma_wait3A_331 = tpu.memref_squeeze %dma_wait3A_330 : memref<1x128x128xf32, #tpu.memory_space<hbm>> -> memref<128x128xf32, #tpu.memory_space<hbm>>
        %dma_wait3A_332 = arith.constant 0 : i32
        %dma_wait3A_333 = arith.constant 0 : i32
        %dma_wait3A_334 = tpu.memref_slice %arg6[%run_scoped3A_149, %dma_wait3A_332, %dma_wait3A_333] : memref<5x128x128xf32, #tpu.memory_space<vmem>> -> memref<1x128x128xf32, #tpu.memory_space<vmem>>
        %dma_wait3A_335 = tpu.memref_squeeze %dma_wait3A_334 : memref<1x128x128xf32, #tpu.memory_space<vmem>> -> memref<128x128xf32, #tpu.memory_space<vmem>>
        tpu.wait_dma2 semaphore(%run_scoped3A_307 : memref<!tpu.dma_semaphore, #tpu.memory_space<semaphore_mem>>) src(%dma_wait3A_335 : memref<128x128xf32, #tpu.memory_space<vmem>>) dst(%dma_wait3A_331 : memref<128x128xf32, #tpu.memory_space<hbm>>)
        tpu.yield
      }) : () -> ()
      %add3A_150 = arith.constant 5 : i32
      %add3A_151 = arith.addi %add3A_108, %add3A_150 : i32
      %lt3A_152 = arith.constant 50 : i32
      %lt3A_153 = arith.cmpi slt, %add3A_151, %lt3A_152 : i32
      %convert_element_type3A_154 = arith.extui %lt3A_153 : i1 to i32
      %cond3A_155 = arith.constant 0 : i32
      %cond3A_156 = arith.cmpi ne, %convert_element_type3A_154, %cond3A_155 : i32
      scf.if %cond3A_156 {
        %add3A_307 = arith.constant 5 : i32
        %add3A_308 = arith.addi %add3A_108, %add3A_307 : i32
        %dma_start3A_309 = arith.constant 1 : i32
        %dma_start3A_310 = arith.constant 0 : i32
        %dma_start3A_311 = arith.constant 0 : i32
        %dma_start3A_312 = tpu.memref_slice %arg6[%dma_start3A_309, %dma_start3A_310, %dma_start3A_311] : memref<5x128x128xf32, #tpu.memory_space<vmem>> -> memref<1x128x128xf32, #tpu.memory_space<vmem>>
        %dma_start3A_313 = tpu.memref_squeeze %dma_start3A_312 : memref<1x128x128xf32, #tpu.memory_space<vmem>> -> memref<128x128xf32, #tpu.memory_space<vmem>>
        %dma_start3A_314 = arith.constant 0 : i32
        %dma_start3A_315 = tpu.memref_slice %arg5[%add3A_308, %dma_start3A_314] : memref<50x128xi32, #tpu.memory_space<vmem>> -> memref<1x128xi32, #tpu.memory_space<vmem>>
        %dma_start3A_316 = tpu.memref_squeeze %dma_start3A_315 : memref<1x128xi32, #tpu.memory_space<vmem>> -> memref<128xi32, #tpu.memory_space<vmem>>
        %dma_start3A_317 = arith.constant 0 : i32
        %dma_start3A_318 = arith.constant 0 : i32
        %dma_start3A_319 = tpu.memref_slice %arg3[%dma_start3A_317, %dma_start3A_318] : memref<100000x128xf32, #tpu.memory_space<hbm>> -> memref<100000x128xf32, #tpu.memory_space<hbm>>
        tpu.enqueue_indirect_dma source(%dma_start3A_319 : memref<100000x128xf32, #tpu.memory_space<hbm>>) target(%dma_start3A_313 : memref<128x128xf32, #tpu.memory_space<vmem>>) offsets(%dma_start3A_316 : memref<128xi32, #tpu.memory_space<vmem>>) semaphore(%arg8 : memref<!tpu.dma_semaphore, #tpu.memory_space<semaphore_mem>>)
      } else {
      }
      %add3A_157 = arith.constant 2 : i32
      %add3A_158 = arith.addi %mul3A_69, %add3A_157 : i32
      %dma_wait3A_159 = arith.constant 2 : i32
      %dma_wait3A_160 = arith.constant 0 : i32
      %dma_wait3A_161 = arith.constant 0 : i32
      %dma_wait3A_162 = tpu.memref_slice %arg6[%dma_wait3A_159, %dma_wait3A_160, %dma_wait3A_161] : memref<5x128x128xf32, #tpu.memory_space<vmem>> -> memref<1x128x128xf32, #tpu.memory_space<vmem>>
      %dma_wait3A_163 = tpu.memref_squeeze %dma_wait3A_162 : memref<1x128x128xf32, #tpu.memory_space<vmem>> -> memref<128x128xf32, #tpu.memory_space<vmem>>
      %dma_wait3A_164 = arith.constant 0 : i32
      %dma_wait3A_165 = tpu.memref_slice %arg5[%add3A_158, %dma_wait3A_164] : memref<50x128xi32, #tpu.memory_space<vmem>> -> memref<1x128xi32, #tpu.memory_space<vmem>>
      %dma_wait3A_166 = tpu.memref_squeeze %dma_wait3A_165 : memref<1x128xi32, #tpu.memory_space<vmem>> -> memref<128xi32, #tpu.memory_space<vmem>>
      %dma_wait3A_167 = arith.constant 0 : i32
      %dma_wait3A_168 = arith.constant 0 : i32
      %dma_wait3A_169 = tpu.memref_slice %arg3[%dma_wait3A_167, %dma_wait3A_168] : memref<100000x128xf32, #tpu.memory_space<hbm>> -> memref<100000x128xf32, #tpu.memory_space<hbm>>
      tpu.wait_indirect_dma semaphore(%arg9 : memref<!tpu.dma_semaphore, #tpu.memory_space<semaphore_mem>>) src(%dma_wait3A_169 : memref<100000x128xf32, #tpu.memory_space<hbm>>) dst(%dma_wait3A_163 : memref<128x128xf32, #tpu.memory_space<vmem>>)
      %mul3A_170 = arith.constant 128 : i32
      %mul3A_171 = arith.muli %add3A_158, %mul3A_170 : i32
      %add3A_172 = arith.addi %mul3A_2, %mul3A_171 : i32
      %jit3A_173 = arith.constant 4096 : i32
      %div3A_174 = arith.divsi %add3A_172, %jit3A_173 : i32
      %sign3A_175 = arith.constant 0 : i32
      %sign3A_176 = arith.cmpi sgt, %add3A_172, %sign3A_175 : i32
      %sign3A_177 = arith.extui %sign3A_176 : i1 to i32
      %sign3A_178 = arith.constant 0 : i32
      %sign3A_179 = arith.cmpi slt, %add3A_172, %sign3A_178 : i32
      %sign3A_180 = arith.extui %sign3A_179 : i1 to i32
      %sign3A_181 = arith.subi %sign3A_177, %sign3A_180 : i32
      %sign3A_182 = arith.constant 0 : i32
      %sign3A_183 = arith.cmpi sgt, %jit3A_173, %sign3A_182 : i32
      %sign3A_184 = arith.extui %sign3A_183 : i1 to i32
      %sign3A_185 = arith.constant 0 : i32
      %sign3A_186 = arith.cmpi slt, %jit3A_173, %sign3A_185 : i32
      %sign3A_187 = arith.extui %sign3A_186 : i1 to i32
      %sign3A_188 = arith.subi %sign3A_184, %sign3A_187 : i32
      %ne3A_189 = arith.cmpi ne, %sign3A_181, %sign3A_188 : i32
      %rem3A_190 = arith.remsi %add3A_172, %jit3A_173 : i32
      %ne3A_191 = arith.constant 0 : i32
      %ne3A_192 = arith.cmpi ne, %rem3A_190, %ne3A_191 : i32
      %and3A_193 = arith.andi %ne3A_189, %ne3A_192 : i1
      %sub3A_194 = arith.constant 1 : i32
      %sub3A_195 = arith.subi %div3A_174, %sub3A_194 : i32
      %select_n3A_196 = arith.select %and3A_193, %sub3A_195, %div3A_174 : i32
      %rem3A_197 = arith.constant 4096 : i32
      %rem3A_198 = arith.remsi %add3A_172, %rem3A_197 : i32
      %run_scoped3A_199 = arith.constant 2 : i32
      "tpu.region"() ({
        %run_scoped3A_307 = tpu.sem_alloc : memref<!tpu.dma_semaphore, #tpu.memory_space<semaphore_mem>>
        %dma_start3A_308 = arith.constant 0 : i32
        %dma_start3A_309 = arith.constant 0 : i32
        %dma_start3A_310 = tpu.memref_slice %arg6[%run_scoped3A_199, %dma_start3A_308, %dma_start3A_309] : memref<5x128x128xf32, #tpu.memory_space<vmem>> -> memref<1x128x128xf32, #tpu.memory_space<vmem>>
        %dma_start3A_311 = tpu.memref_squeeze %dma_start3A_310 : memref<1x128x128xf32, #tpu.memory_space<vmem>> -> memref<128x128xf32, #tpu.memory_space<vmem>>
        %dma_start3A_312 = arith.constant 0 : i32
        %dma_start3A_313 = tpu.memref_slice %arg4[%select_n3A_196, %rem3A_198, %dma_start3A_312] : memref<50x4096x128xf32, #tpu.memory_space<hbm>> -> memref<1x128x128xf32, #tpu.memory_space<hbm>>
        %dma_start3A_314 = tpu.memref_squeeze %dma_start3A_313 : memref<1x128x128xf32, #tpu.memory_space<hbm>> -> memref<128x128xf32, #tpu.memory_space<hbm>>
        %dma_start3A_315 = arith.constant 0 : i32
        %dma_start3A_316 = tpu.memref_slice %arg4[%select_n3A_196, %rem3A_198, %dma_start3A_315] : memref<50x4096x128xf32, #tpu.memory_space<hbm>> -> memref<1x128x128xf32, #tpu.memory_space<hbm>>
        %dma_start3A_317 = tpu.memref_squeeze %dma_start3A_316 : memref<1x128x128xf32, #tpu.memory_space<hbm>> -> memref<128x128xf32, #tpu.memory_space<hbm>>
        %dma_start3A_318 = arith.constant 0 : i32
        %dma_start3A_319 = arith.constant 0 : i32
        %dma_start3A_320 = tpu.memref_slice %arg6[%run_scoped3A_199, %dma_start3A_318, %dma_start3A_319] : memref<5x128x128xf32, #tpu.memory_space<vmem>> -> memref<1x128x128xf32, #tpu.memory_space<vmem>>
        %dma_start3A_321 = tpu.memref_squeeze %dma_start3A_320 : memref<1x128x128xf32, #tpu.memory_space<vmem>> -> memref<128x128xf32, #tpu.memory_space<vmem>>
        tpu.enqueue_dma source(%dma_start3A_321 : memref<128x128xf32, #tpu.memory_space<vmem>>) target(%dma_start3A_317 : memref<128x128xf32, #tpu.memory_space<hbm>>) target_semaphore(%run_scoped3A_307 : memref<!tpu.dma_semaphore, #tpu.memory_space<semaphore_mem>>)
        %dma_wait3A_322 = arith.constant 0 : i32
        %dma_wait3A_323 = arith.constant 0 : i32
        %dma_wait3A_324 = tpu.memref_slice %arg6[%run_scoped3A_199, %dma_wait3A_322, %dma_wait3A_323] : memref<5x128x128xf32, #tpu.memory_space<vmem>> -> memref<1x128x128xf32, #tpu.memory_space<vmem>>
        %dma_wait3A_325 = tpu.memref_squeeze %dma_wait3A_324 : memref<1x128x128xf32, #tpu.memory_space<vmem>> -> memref<128x128xf32, #tpu.memory_space<vmem>>
        %dma_wait3A_326 = arith.constant 0 : i32
        %dma_wait3A_327 = tpu.memref_slice %arg4[%select_n3A_196, %rem3A_198, %dma_wait3A_326] : memref<50x4096x128xf32, #tpu.memory_space<hbm>> -> memref<1x128x128xf32, #tpu.memory_space<hbm>>
        %dma_wait3A_328 = tpu.memref_squeeze %dma_wait3A_327 : memref<1x128x128xf32, #tpu.memory_space<hbm>> -> memref<128x128xf32, #tpu.memory_space<hbm>>
        %dma_wait3A_329 = arith.constant 0 : i32
        %dma_wait3A_330 = tpu.memref_slice %arg4[%select_n3A_196, %rem3A_198, %dma_wait3A_329] : memref<50x4096x128xf32, #tpu.memory_space<hbm>> -> memref<1x128x128xf32, #tpu.memory_space<hbm>>
        %dma_wait3A_331 = tpu.memref_squeeze %dma_wait3A_330 : memref<1x128x128xf32, #tpu.memory_space<hbm>> -> memref<128x128xf32, #tpu.memory_space<hbm>>
        %dma_wait3A_332 = arith.constant 0 : i32
        %dma_wait3A_333 = arith.constant 0 : i32
        %dma_wait3A_334 = tpu.memref_slice %arg6[%run_scoped3A_199, %dma_wait3A_332, %dma_wait3A_333] : memref<5x128x128xf32, #tpu.memory_space<vmem>> -> memref<1x128x128xf32, #tpu.memory_space<vmem>>
        %dma_wait3A_335 = tpu.memref_squeeze %dma_wait3A_334 : memref<1x128x128xf32, #tpu.memory_space<vmem>> -> memref<128x128xf32, #tpu.memory_space<vmem>>
        tpu.wait_dma2 semaphore(%run_scoped3A_307 : memref<!tpu.dma_semaphore, #tpu.memory_space<semaphore_mem>>) src(%dma_wait3A_335 : memref<128x128xf32, #tpu.memory_space<vmem>>) dst(%dma_wait3A_331 : memref<128x128xf32, #tpu.memory_space<hbm>>)
        tpu.yield
      }) : () -> ()
      %add3A_200 = arith.constant 5 : i32
      %add3A_201 = arith.addi %add3A_158, %add3A_200 : i32
      %lt3A_202 = arith.constant 50 : i32
      %lt3A_203 = arith.cmpi slt, %add3A_201, %lt3A_202 : i32
      %convert_element_type3A_204 = arith.extui %lt3A_203 : i1 to i32
      %cond3A_205 = arith.constant 0 : i32
      %cond3A_206 = arith.cmpi ne, %convert_element_type3A_204, %cond3A_205 : i32
      scf.if %cond3A_206 {
        %add3A_307 = arith.constant 5 : i32
        %add3A_308 = arith.addi %add3A_158, %add3A_307 : i32
        %dma_start3A_309 = arith.constant 2 : i32
        %dma_start3A_310 = arith.constant 0 : i32
        %dma_start3A_311 = arith.constant 0 : i32
        %dma_start3A_312 = tpu.memref_slice %arg6[%dma_start3A_309, %dma_start3A_310, %dma_start3A_311] : memref<5x128x128xf32, #tpu.memory_space<vmem>> -> memref<1x128x128xf32, #tpu.memory_space<vmem>>
        %dma_start3A_313 = tpu.memref_squeeze %dma_start3A_312 : memref<1x128x128xf32, #tpu.memory_space<vmem>> -> memref<128x128xf32, #tpu.memory_space<vmem>>
        %dma_start3A_314 = arith.constant 0 : i32
        %dma_start3A_315 = tpu.memref_slice %arg5[%add3A_308, %dma_start3A_314] : memref<50x128xi32, #tpu.memory_space<vmem>> -> memref<1x128xi32, #tpu.memory_space<vmem>>
        %dma_start3A_316 = tpu.memref_squeeze %dma_start3A_315 : memref<1x128xi32, #tpu.memory_space<vmem>> -> memref<128xi32, #tpu.memory_space<vmem>>
        %dma_start3A_317 = arith.constant 0 : i32
        %dma_start3A_318 = arith.constant 0 : i32
        %dma_start3A_319 = tpu.memref_slice %arg3[%dma_start3A_317, %dma_start3A_318] : memref<100000x128xf32, #tpu.memory_space<hbm>> -> memref<100000x128xf32, #tpu.memory_space<hbm>>
        tpu.enqueue_indirect_dma source(%dma_start3A_319 : memref<100000x128xf32, #tpu.memory_space<hbm>>) target(%dma_start3A_313 : memref<128x128xf32, #tpu.memory_space<vmem>>) offsets(%dma_start3A_316 : memref<128xi32, #tpu.memory_space<vmem>>) semaphore(%arg9 : memref<!tpu.dma_semaphore, #tpu.memory_space<semaphore_mem>>)
      } else {
      }
      %add3A_207 = arith.constant 3 : i32
      %add3A_208 = arith.addi %mul3A_69, %add3A_207 : i32
      %dma_wait3A_209 = arith.constant 3 : i32
      %dma_wait3A_210 = arith.constant 0 : i32
      %dma_wait3A_211 = arith.constant 0 : i32
      %dma_wait3A_212 = tpu.memref_slice %arg6[%dma_wait3A_209, %dma_wait3A_210, %dma_wait3A_211] : memref<5x128x128xf32, #tpu.memory_space<vmem>> -> memref<1x128x128xf32, #tpu.memory_space<vmem>>
      %dma_wait3A_213 = tpu.memref_squeeze %dma_wait3A_212 : memref<1x128x128xf32, #tpu.memory_space<vmem>> -> memref<128x128xf32, #tpu.memory_space<vmem>>
      %dma_wait3A_214 = arith.constant 0 : i32
      %dma_wait3A_215 = tpu.memref_slice %arg5[%add3A_208, %dma_wait3A_214] : memref<50x128xi32, #tpu.memory_space<vmem>> -> memref<1x128xi32, #tpu.memory_space<vmem>>
      %dma_wait3A_216 = tpu.memref_squeeze %dma_wait3A_215 : memref<1x128xi32, #tpu.memory_space<vmem>> -> memref<128xi32, #tpu.memory_space<vmem>>
      %dma_wait3A_217 = arith.constant 0 : i32
      %dma_wait3A_218 = arith.constant 0 : i32
      %dma_wait3A_219 = tpu.memref_slice %arg3[%dma_wait3A_217, %dma_wait3A_218] : memref<100000x128xf32, #tpu.memory_space<hbm>> -> memref<100000x128xf32, #tpu.memory_space<hbm>>
      tpu.wait_indirect_dma semaphore(%arg10 : memref<!tpu.dma_semaphore, #tpu.memory_space<semaphore_mem>>) src(%dma_wait3A_219 : memref<100000x128xf32, #tpu.memory_space<hbm>>) dst(%dma_wait3A_213 : memref<128x128xf32, #tpu.memory_space<vmem>>)
      %mul3A_220 = arith.constant 128 : i32
      %mul3A_221 = arith.muli %add3A_208, %mul3A_220 : i32
      %add3A_222 = arith.addi %mul3A_2, %mul3A_221 : i32
      %jit3A_223 = arith.constant 4096 : i32
      %div3A_224 = arith.divsi %add3A_222, %jit3A_223 : i32
      %sign3A_225 = arith.constant 0 : i32
      %sign3A_226 = arith.cmpi sgt, %add3A_222, %sign3A_225 : i32
      %sign3A_227 = arith.extui %sign3A_226 : i1 to i32
      %sign3A_228 = arith.constant 0 : i32
      %sign3A_229 = arith.cmpi slt, %add3A_222, %sign3A_228 : i32
      %sign3A_230 = arith.extui %sign3A_229 : i1 to i32
      %sign3A_231 = arith.subi %sign3A_227, %sign3A_230 : i32
      %sign3A_232 = arith.constant 0 : i32
      %sign3A_233 = arith.cmpi sgt, %jit3A_223, %sign3A_232 : i32
      %sign3A_234 = arith.extui %sign3A_233 : i1 to i32
      %sign3A_235 = arith.constant 0 : i32
      %sign3A_236 = arith.cmpi slt, %jit3A_223, %sign3A_235 : i32
      %sign3A_237 = arith.extui %sign3A_236 : i1 to i32
      %sign3A_238 = arith.subi %sign3A_234, %sign3A_237 : i32
      %ne3A_239 = arith.cmpi ne, %sign3A_231, %sign3A_238 : i32
      %rem3A_240 = arith.remsi %add3A_222, %jit3A_223 : i32
      %ne3A_241 = arith.constant 0 : i32
      %ne3A_242 = arith.cmpi ne, %rem3A_240, %ne3A_241 : i32
      %and3A_243 = arith.andi %ne3A_239, %ne3A_242 : i1
      %sub3A_244 = arith.constant 1 : i32
      %sub3A_245 = arith.subi %div3A_224, %sub3A_244 : i32
      %select_n3A_246 = arith.select %and3A_243, %sub3A_245, %div3A_224 : i32
      %rem3A_247 = arith.constant 4096 : i32
      %rem3A_248 = arith.remsi %add3A_222, %rem3A_247 : i32
      %run_scoped3A_249 = arith.constant 3 : i32
      "tpu.region"() ({
        %run_scoped3A_307 = tpu.sem_alloc : memref<!tpu.dma_semaphore, #tpu.memory_space<semaphore_mem>>
        %dma_start3A_308 = arith.constant 0 : i32
        %dma_start3A_309 = arith.constant 0 : i32
        %dma_start3A_310 = tpu.memref_slice %arg6[%run_scoped3A_249, %dma_start3A_308, %dma_start3A_309] : memref<5x128x128xf32, #tpu.memory_space<vmem>> -> memref<1x128x128xf32, #tpu.memory_space<vmem>>
        %dma_start3A_311 = tpu.memref_squeeze %dma_start3A_310 : memref<1x128x128xf32, #tpu.memory_space<vmem>> -> memref<128x128xf32, #tpu.memory_space<vmem>>
        %dma_start3A_312 = arith.constant 0 : i32
        %dma_start3A_313 = tpu.memref_slice %arg4[%select_n3A_246, %rem3A_248, %dma_start3A_312] : memref<50x4096x128xf32, #tpu.memory_space<hbm>> -> memref<1x128x128xf32, #tpu.memory_space<hbm>>
        %dma_start3A_314 = tpu.memref_squeeze %dma_start3A_313 : memref<1x128x128xf32, #tpu.memory_space<hbm>> -> memref<128x128xf32, #tpu.memory_space<hbm>>
        %dma_start3A_315 = arith.constant 0 : i32
        %dma_start3A_316 = tpu.memref_slice %arg4[%select_n3A_246, %rem3A_248, %dma_start3A_315] : memref<50x4096x128xf32, #tpu.memory_space<hbm>> -> memref<1x128x128xf32, #tpu.memory_space<hbm>>
        %dma_start3A_317 = tpu.memref_squeeze %dma_start3A_316 : memref<1x128x128xf32, #tpu.memory_space<hbm>> -> memref<128x128xf32, #tpu.memory_space<hbm>>
        %dma_start3A_318 = arith.constant 0 : i32
        %dma_start3A_319 = arith.constant 0 : i32
        %dma_start3A_320 = tpu.memref_slice %arg6[%run_scoped3A_249, %dma_start3A_318, %dma_start3A_319] : memref<5x128x128xf32, #tpu.memory_space<vmem>> -> memref<1x128x128xf32, #tpu.memory_space<vmem>>
        %dma_start3A_321 = tpu.memref_squeeze %dma_start3A_320 : memref<1x128x128xf32, #tpu.memory_space<vmem>> -> memref<128x128xf32, #tpu.memory_space<vmem>>
        tpu.enqueue_dma source(%dma_start3A_321 : memref<128x128xf32, #tpu.memory_space<vmem>>) target(%dma_start3A_317 : memref<128x128xf32, #tpu.memory_space<hbm>>) target_semaphore(%run_scoped3A_307 : memref<!tpu.dma_semaphore, #tpu.memory_space<semaphore_mem>>)
        %dma_wait3A_322 = arith.constant 0 : i32
        %dma_wait3A_323 = arith.constant 0 : i32
        %dma_wait3A_324 = tpu.memref_slice %arg6[%run_scoped3A_249, %dma_wait3A_322, %dma_wait3A_323] : memref<5x128x128xf32, #tpu.memory_space<vmem>> -> memref<1x128x128xf32, #tpu.memory_space<vmem>>
        %dma_wait3A_325 = tpu.memref_squeeze %dma_wait3A_324 : memref<1x128x128xf32, #tpu.memory_space<vmem>> -> memref<128x128xf32, #tpu.memory_space<vmem>>
        %dma_wait3A_326 = arith.constant 0 : i32
        %dma_wait3A_327 = tpu.memref_slice %arg4[%select_n3A_246, %rem3A_248, %dma_wait3A_326] : memref<50x4096x128xf32, #tpu.memory_space<hbm>> -> memref<1x128x128xf32, #tpu.memory_space<hbm>>
        %dma_wait3A_328 = tpu.memref_squeeze %dma_wait3A_327 : memref<1x128x128xf32, #tpu.memory_space<hbm>> -> memref<128x128xf32, #tpu.memory_space<hbm>>
        %dma_wait3A_329 = arith.constant 0 : i32
        %dma_wait3A_330 = tpu.memref_slice %arg4[%select_n3A_246, %rem3A_248, %dma_wait3A_329] : memref<50x4096x128xf32, #tpu.memory_space<hbm>> -> memref<1x128x128xf32, #tpu.memory_space<hbm>>
        %dma_wait3A_331 = tpu.memref_squeeze %dma_wait3A_330 : memref<1x128x128xf32, #tpu.memory_space<hbm>> -> memref<128x128xf32, #tpu.memory_space<hbm>>
        %dma_wait3A_332 = arith.constant 0 : i32
        %dma_wait3A_333 = arith.constant 0 : i32
        %dma_wait3A_334 = tpu.memref_slice %arg6[%run_scoped3A_249, %dma_wait3A_332, %dma_wait3A_333] : memref<5x128x128xf32, #tpu.memory_space<vmem>> -> memref<1x128x128xf32, #tpu.memory_space<vmem>>
        %dma_wait3A_335 = tpu.memref_squeeze %dma_wait3A_334 : memref<1x128x128xf32, #tpu.memory_space<vmem>> -> memref<128x128xf32, #tpu.memory_space<vmem>>
        tpu.wait_dma2 semaphore(%run_scoped3A_307 : memref<!tpu.dma_semaphore, #tpu.memory_space<semaphore_mem>>) src(%dma_wait3A_335 : memref<128x128xf32, #tpu.memory_space<vmem>>) dst(%dma_wait3A_331 : memref<128x128xf32, #tpu.memory_space<hbm>>)
        tpu.yield
      }) : () -> ()
      %add3A_250 = arith.constant 5 : i32
      %add3A_251 = arith.addi %add3A_208, %add3A_250 : i32
      %lt3A_252 = arith.constant 50 : i32
      %lt3A_253 = arith.cmpi slt, %add3A_251, %lt3A_252 : i32
      %convert_element_type3A_254 = arith.extui %lt3A_253 : i1 to i32
      %cond3A_255 = arith.constant 0 : i32
      %cond3A_256 = arith.cmpi ne, %convert_element_type3A_254, %cond3A_255 : i32
      scf.if %cond3A_256 {
        %add3A_307 = arith.constant 5 : i32
        %add3A_308 = arith.addi %add3A_208, %add3A_307 : i32
        %dma_start3A_309 = arith.constant 3 : i32
        %dma_start3A_310 = arith.constant 0 : i32
        %dma_start3A_311 = arith.constant 0 : i32
        %dma_start3A_312 = tpu.memref_slice %arg6[%dma_start3A_309, %dma_start3A_310, %dma_start3A_311] : memref<5x128x128xf32, #tpu.memory_space<vmem>> -> memref<1x128x128xf32, #tpu.memory_space<vmem>>
        %dma_start3A_313 = tpu.memref_squeeze %dma_start3A_312 : memref<1x128x128xf32, #tpu.memory_space<vmem>> -> memref<128x128xf32, #tpu.memory_space<vmem>>
        %dma_start3A_314 = arith.constant 0 : i32
        %dma_start3A_315 = tpu.memref_slice %arg5[%add3A_308, %dma_start3A_314] : memref<50x128xi32, #tpu.memory_space<vmem>> -> memref<1x128xi32, #tpu.memory_space<vmem>>
        %dma_start3A_316 = tpu.memref_squeeze %dma_start3A_315 : memref<1x128xi32, #tpu.memory_space<vmem>> -> memref<128xi32, #tpu.memory_space<vmem>>
        %dma_start3A_317 = arith.constant 0 : i32
        %dma_start3A_318 = arith.constant 0 : i32
        %dma_start3A_319 = tpu.memref_slice %arg3[%dma_start3A_317, %dma_start3A_318] : memref<100000x128xf32, #tpu.memory_space<hbm>> -> memref<100000x128xf32, #tpu.memory_space<hbm>>
        tpu.enqueue_indirect_dma source(%dma_start3A_319 : memref<100000x128xf32, #tpu.memory_space<hbm>>) target(%dma_start3A_313 : memref<128x128xf32, #tpu.memory_space<vmem>>) offsets(%dma_start3A_316 : memref<128xi32, #tpu.memory_space<vmem>>) semaphore(%arg10 : memref<!tpu.dma_semaphore, #tpu.memory_space<semaphore_mem>>)
      } else {
      }
      %add3A_257 = arith.constant 4 : i32
      %add3A_258 = arith.addi %mul3A_69, %add3A_257 : i32
      %dma_wait3A_259 = arith.constant 4 : i32
      %dma_wait3A_260 = arith.constant 0 : i32
      %dma_wait3A_261 = arith.constant 0 : i32
      %dma_wait3A_262 = tpu.memref_slice %arg6[%dma_wait3A_259, %dma_wait3A_260, %dma_wait3A_261] : memref<5x128x128xf32, #tpu.memory_space<vmem>> -> memref<1x128x128xf32, #tpu.memory_space<vmem>>
      %dma_wait3A_263 = tpu.memref_squeeze %dma_wait3A_262 : memref<1x128x128xf32, #tpu.memory_space<vmem>> -> memref<128x128xf32, #tpu.memory_space<vmem>>
      %dma_wait3A_264 = arith.constant 0 : i32
      %dma_wait3A_265 = tpu.memref_slice %arg5[%add3A_258, %dma_wait3A_264] : memref<50x128xi32, #tpu.memory_space<vmem>> -> memref<1x128xi32, #tpu.memory_space<vmem>>
      %dma_wait3A_266 = tpu.memref_squeeze %dma_wait3A_265 : memref<1x128xi32, #tpu.memory_space<vmem>> -> memref<128xi32, #tpu.memory_space<vmem>>
      %dma_wait3A_267 = arith.constant 0 : i32
      %dma_wait3A_268 = arith.constant 0 : i32
      %dma_wait3A_269 = tpu.memref_slice %arg3[%dma_wait3A_267, %dma_wait3A_268] : memref<100000x128xf32, #tpu.memory_space<hbm>> -> memref<100000x128xf32, #tpu.memory_space<hbm>>
      tpu.wait_indirect_dma semaphore(%arg11 : memref<!tpu.dma_semaphore, #tpu.memory_space<semaphore_mem>>) src(%dma_wait3A_269 : memref<100000x128xf32, #tpu.memory_space<hbm>>) dst(%dma_wait3A_263 : memref<128x128xf32, #tpu.memory_space<vmem>>)
      %mul3A_270 = arith.constant 128 : i32
      %mul3A_271 = arith.muli %add3A_258, %mul3A_270 : i32
      %add3A_272 = arith.addi %mul3A_2, %mul3A_271 : i32
      %jit3A_273 = arith.constant 4096 : i32
      %div3A_274 = arith.divsi %add3A_272, %jit3A_273 : i32
      %sign3A_275 = arith.constant 0 : i32
      %sign3A_276 = arith.cmpi sgt, %add3A_272, %sign3A_275 : i32
      %sign3A_277 = arith.extui %sign3A_276 : i1 to i32
      %sign3A_278 = arith.constant 0 : i32
      %sign3A_279 = arith.cmpi slt, %add3A_272, %sign3A_278 : i32
      %sign3A_280 = arith.extui %sign3A_279 : i1 to i32
      %sign3A_281 = arith.subi %sign3A_277, %sign3A_280 : i32
      %sign3A_282 = arith.constant 0 : i32
      %sign3A_283 = arith.cmpi sgt, %jit3A_273, %sign3A_282 : i32
      %sign3A_284 = arith.extui %sign3A_283 : i1 to i32
      %sign3A_285 = arith.constant 0 : i32
      %sign3A_286 = arith.cmpi slt, %jit3A_273, %sign3A_285 : i32
      %sign3A_287 = arith.extui %sign3A_286 : i1 to i32
      %sign3A_288 = arith.subi %sign3A_284, %sign3A_287 : i32
      %ne3A_289 = arith.cmpi ne, %sign3A_281, %sign3A_288 : i32
      %rem3A_290 = arith.remsi %add3A_272, %jit3A_273 : i32
      %ne3A_291 = arith.constant 0 : i32
      %ne3A_292 = arith.cmpi ne, %rem3A_290, %ne3A_291 : i32
      %and3A_293 = arith.andi %ne3A_289, %ne3A_292 : i1
      %sub3A_294 = arith.constant 1 : i32
      %sub3A_295 = arith.subi %div3A_274, %sub3A_294 : i32
      %select_n3A_296 = arith.select %and3A_293, %sub3A_295, %div3A_274 : i32
      %rem3A_297 = arith.constant 4096 : i32
      %rem3A_298 = arith.remsi %add3A_272, %rem3A_297 : i32
      %run_scoped3A_299 = arith.constant 4 : i32
      "tpu.region"() ({
        %run_scoped3A_307 = tpu.sem_alloc : memref<!tpu.dma_semaphore, #tpu.memory_space<semaphore_mem>>
        %dma_start3A_308 = arith.constant 0 : i32
        %dma_start3A_309 = arith.constant 0 : i32
        %dma_start3A_310 = tpu.memref_slice %arg6[%run_scoped3A_299, %dma_start3A_308, %dma_start3A_309] : memref<5x128x128xf32, #tpu.memory_space<vmem>> -> memref<1x128x128xf32, #tpu.memory_space<vmem>>
        %dma_start3A_311 = tpu.memref_squeeze %dma_start3A_310 : memref<1x128x128xf32, #tpu.memory_space<vmem>> -> memref<128x128xf32, #tpu.memory_space<vmem>>
        %dma_start3A_312 = arith.constant 0 : i32
        %dma_start3A_313 = tpu.memref_slice %arg4[%select_n3A_296, %rem3A_298, %dma_start3A_312] : memref<50x4096x128xf32, #tpu.memory_space<hbm>> -> memref<1x128x128xf32, #tpu.memory_space<hbm>>
        %dma_start3A_314 = tpu.memref_squeeze %dma_start3A_313 : memref<1x128x128xf32, #tpu.memory_space<hbm>> -> memref<128x128xf32, #tpu.memory_space<hbm>>
        %dma_start3A_315 = arith.constant 0 : i32
        %dma_start3A_316 = tpu.memref_slice %arg4[%select_n3A_296, %rem3A_298, %dma_start3A_315] : memref<50x4096x128xf32, #tpu.memory_space<hbm>> -> memref<1x128x128xf32, #tpu.memory_space<hbm>>
        %dma_start3A_317 = tpu.memref_squeeze %dma_start3A_316 : memref<1x128x128xf32, #tpu.memory_space<hbm>> -> memref<128x128xf32, #tpu.memory_space<hbm>>
        %dma_start3A_318 = arith.constant 0 : i32
        %dma_start3A_319 = arith.constant 0 : i32
        %dma_start3A_320 = tpu.memref_slice %arg6[%run_scoped3A_299, %dma_start3A_318, %dma_start3A_319] : memref<5x128x128xf32, #tpu.memory_space<vmem>> -> memref<1x128x128xf32, #tpu.memory_space<vmem>>
        %dma_start3A_321 = tpu.memref_squeeze %dma_start3A_320 : memref<1x128x128xf32, #tpu.memory_space<vmem>> -> memref<128x128xf32, #tpu.memory_space<vmem>>
        tpu.enqueue_dma source(%dma_start3A_321 : memref<128x128xf32, #tpu.memory_space<vmem>>) target(%dma_start3A_317 : memref<128x128xf32, #tpu.memory_space<hbm>>) target_semaphore(%run_scoped3A_307 : memref<!tpu.dma_semaphore, #tpu.memory_space<semaphore_mem>>)
        %dma_wait3A_322 = arith.constant 0 : i32
        %dma_wait3A_323 = arith.constant 0 : i32
        %dma_wait3A_324 = tpu.memref_slice %arg6[%run_scoped3A_299, %dma_wait3A_322, %dma_wait3A_323] : memref<5x128x128xf32, #tpu.memory_space<vmem>> -> memref<1x128x128xf32, #tpu.memory_space<vmem>>
        %dma_wait3A_325 = tpu.memref_squeeze %dma_wait3A_324 : memref<1x128x128xf32, #tpu.memory_space<vmem>> -> memref<128x128xf32, #tpu.memory_space<vmem>>
        %dma_wait3A_326 = arith.constant 0 : i32
        %dma_wait3A_327 = tpu.memref_slice %arg4[%select_n3A_296, %rem3A_298, %dma_wait3A_326] : memref<50x4096x128xf32, #tpu.memory_space<hbm>> -> memref<1x128x128xf32, #tpu.memory_space<hbm>>
        %dma_wait3A_328 = tpu.memref_squeeze %dma_wait3A_327 : memref<1x128x128xf32, #tpu.memory_space<hbm>> -> memref<128x128xf32, #tpu.memory_space<hbm>>
        %dma_wait3A_329 = arith.constant 0 : i32
        %dma_wait3A_330 = tpu.memref_slice %arg4[%select_n3A_296, %rem3A_298, %dma_wait3A_329] : memref<50x4096x128xf32, #tpu.memory_space<hbm>> -> memref<1x128x128xf32, #tpu.memory_space<hbm>>
        %dma_wait3A_331 = tpu.memref_squeeze %dma_wait3A_330 : memref<1x128x128xf32, #tpu.memory_space<hbm>> -> memref<128x128xf32, #tpu.memory_space<hbm>>
        %dma_wait3A_332 = arith.constant 0 : i32
        %dma_wait3A_333 = arith.constant 0 : i32
        %dma_wait3A_334 = tpu.memref_slice %arg6[%run_scoped3A_299, %dma_wait3A_332, %dma_wait3A_333] : memref<5x128x128xf32, #tpu.memory_space<vmem>> -> memref<1x128x128xf32, #tpu.memory_space<vmem>>
        %dma_wait3A_335 = tpu.memref_squeeze %dma_wait3A_334 : memref<1x128x128xf32, #tpu.memory_space<vmem>> -> memref<128x128xf32, #tpu.memory_space<vmem>>
        tpu.wait_dma2 semaphore(%run_scoped3A_307 : memref<!tpu.dma_semaphore, #tpu.memory_space<semaphore_mem>>) src(%dma_wait3A_335 : memref<128x128xf32, #tpu.memory_space<vmem>>) dst(%dma_wait3A_331 : memref<128x128xf32, #tpu.memory_space<hbm>>)
        tpu.yield
      }) : () -> ()
      %add3A_300 = arith.constant 5 : i32
      %add3A_301 = arith.addi %add3A_258, %add3A_300 : i32
      %lt3A_302 = arith.constant 50 : i32
      %lt3A_303 = arith.cmpi slt, %add3A_301, %lt3A_302 : i32
      %convert_element_type3A_304 = arith.extui %lt3A_303 : i1 to i32
      %cond3A_305 = arith.constant 0 : i32
      %cond3A_306 = arith.cmpi ne, %convert_element_type3A_304, %cond3A_305 : i32
      scf.if %cond3A_306 {
        %add3A_307 = arith.constant 5 : i32
        %add3A_308 = arith.addi %add3A_258, %add3A_307 : i32
        %dma_start3A_309 = arith.constant 4 : i32
        %dma_start3A_310 = arith.constant 0 : i32
        %dma_start3A_311 = arith.constant 0 : i32
        %dma_start3A_312 = tpu.memref_slice %arg6[%dma_start3A_309, %dma_start3A_310, %dma_start3A_311] : memref<5x128x128xf32, #tpu.memory_space<vmem>> -> memref<1x128x128xf32, #tpu.memory_space<vmem>>
        %dma_start3A_313 = tpu.memref_squeeze %dma_start3A_312 : memref<1x128x128xf32, #tpu.memory_space<vmem>> -> memref<128x128xf32, #tpu.memory_space<vmem>>
        %dma_start3A_314 = arith.constant 0 : i32
        %dma_start3A_315 = tpu.memref_slice %arg5[%add3A_308, %dma_start3A_314] : memref<50x128xi32, #tpu.memory_space<vmem>> -> memref<1x128xi32, #tpu.memory_space<vmem>>
        %dma_start3A_316 = tpu.memref_squeeze %dma_start3A_315 : memref<1x128xi32, #tpu.memory_space<vmem>> -> memref<128xi32, #tpu.memory_space<vmem>>
        %dma_start3A_317 = arith.constant 0 : i32
        %dma_start3A_318 = arith.constant 0 : i32
        %dma_start3A_319 = tpu.memref_slice %arg3[%dma_start3A_317, %dma_start3A_318] : memref<100000x128xf32, #tpu.memory_space<hbm>> -> memref<100000x128xf32, #tpu.memory_space<hbm>>
        tpu.enqueue_indirect_dma source(%dma_start3A_319 : memref<100000x128xf32, #tpu.memory_space<hbm>>) target(%dma_start3A_313 : memref<128x128xf32, #tpu.memory_space<vmem>>) offsets(%dma_start3A_316 : memref<128xi32, #tpu.memory_space<vmem>>) semaphore(%arg11 : memref<!tpu.dma_semaphore, #tpu.memory_space<semaphore_mem>>)
      } else {
      }
    }
    %scan3A_66 = arith.constant 10 : i32
    return
  }
}

</mosaic_0001>

<sc_bundles>
// kernel: kernel.3.cloned.1.call-start
scs
__scs_entry_jumppad:
0x0: {  	(pc) =	sbr.rel $0x88, $3  }
0x1: {  	(tag) =	ssettag $0x0;
	lr =	simm.s32 $0x1  }
0x2: {  	[smem:$0x3F9F] =	sst lr;
	_ =	strace $0xD0000000  }
0x3: {  	_ = 	snop  }
0x4: {  	_ = 	snop  }
0x5: {  	_ = 	snop  }
0x6: {  	_ = 	snop  }
0x7: {  	_ = 	snop  }
__scs_overlays_trampoline_lowered:
0x8: {  	[smem:$0x3FAE] =	sst s0  }
0x9: {  	[smem:$0x3FAF] =	sst s1  }
0xa: {  	[smem:$0x3FB0] =	sst s2  }
0xb: {  	[smem:$0x3FB1] =	sst s3  }
0xc: {  	[smem:$0x3FB2] =	sst s4  }
0xd: {  	[smem:$0x3FB3] =	sst s5  }
0xe: {  	[smem:$0x3FB4] =	sst s6  }
0xf: {  	[smem:$0x3FB5] =	sst s7  }
0x10: {  	[smem:$0x3FB6] =	sst s8  }
0x11: {  	[smem:$0x3FB7] =	sst s9;
	s0 =	simm.s32 @!p0 $0x0  }
0x12: {  	s1 =	sld [smem:$0x3F9D];
	s0 =	simm.s32 @p0 $0x1  }
0x13: {  	[smem:$0x3FB8] =	sst s0;
	s0 =	simm.s32 @!p1 $0x0  }
0x14: {  	s2 =	sld [smem:$0x3F9C];
	s0 =	simm.s32 @p1 $0x1  }
0x15: {  	[smem:$0x3FB9] =	sst s0;
	s0 =	simm.s32 @!p2 $0x0  }
0x16: {  	s3 =	sld [smem:$0x3FDB];
	s0 =	simm.s32 @p2 $0x1  }
0x17: {  	s4 =	simm.s32 $0x1BF5;
	[smem:$0x3FBB] =	sst s0  }
0x18: {  	s0 =	sld [smem:$0x3F9E];
	_ =	swait.ge [sflag:s4], $0x0  }
0x19: {  	s7 =	sld [smem:$0x3F9F]  }
0x1a: {  	s8 =	sadd.s32 $0xFFFFE003, lr  }
0x1b: {  	s9 =	sadd.s32 $0xFFFFFEF7, lr;
	s5 =	simm.s32 $0xFFFFFFFF;
	p2 =	slt.u32 s8, $0xFFFFF086  }
0x1c: {  	p1 =	slt.u32 s9, $0xF7A;
	s5 =	simm.s32 @!p2 $0x0  }
0x1d: {  	s5 =	simm.s32 @p1 $0x1;
	p0 =	seq.s32 s7, s2  }
0x1e: {  	s7 =	smul.u32 @!p0 $0xF7A, s2;
	p2 =	seq.s32 @!p0 s5, $0x0  }
0x1f: {  	s9 =	smul.u32 $0xF7A, s1;
	s8 =	simm.s32 @!p0 $0x1BF5;
	p2 =	por !p2, p0  }
0x20: {  	[sflag:s8] =	ssyncset.s32 @!p0 $0xFFFFF086;
	s6 =	sadd.s32 @!p0 s3, s7;
	s7 =	simm.s32 @!p0 $0x108  }
0x21: {  	s3 =	sadd.s32 s3, s9;
	s6 =	sadd.s32 @!p0 $0x88, s6;
	s7 =	simm.s32 @p2 $0x1082  }
0x22: {  	[simem:s7], [sflag:s8] =	dma.local @!p0 [hbm:s6], $0xF7A  }
0x23: {  	s9 =	sor.u32 $0xD0000000, s2;
	s6 =	simm.s32 $0x108;
	_ =	swait.ge @!p0 [sflag:s8], $0x0  }
0x24: {  	s3 =	sadd.s32 $0x88, s3;
	s6 =	simm.s32 @!p1 $0x1082;
	[sflag:s4] =	ssyncset.s32 $0xFFFFF086  }
0x25: {  	[simem:s6], [sflag:s4] =	dma.local [hbm:s3], $0xF7A  }
0x26: {  	[smem:$0x3F9F] =	sst s1;
	(tag) =	ssettag s2;
	_ =	strace s9  }
0x27: {  	s1 =	sld [smem:$0x3FAF]  }
0x28: {  	s2 =	sld [smem:$0x3FB0]  }
0x29: {  	s4 =	sld [smem:$0x3FB2]  }
0x2a: {  	p0 =	seq.s32 s5, $0x0;
	s5 =	sld [smem:$0x3FB3]  }
0x2b: {  	s6 =	sld [smem:$0x3FB4]  }
0x2c: {  	s7 =	sld [smem:$0x3FB5]  }
0x2d: {  	s3 =	simm.s32 $0x108;
	s8 =	sld [smem:$0x3FB6]  }
0x2e: {  	s3 =	simm.s32 @!p0 $0x1082;
	s9 =	sld [smem:$0x3FB7]  }
0x2f: {  	lr =	sadd.s32 s0, s3;
	s0 =	sld [smem:$0x3FAE]  }
0x30: {  	s3 =	sld [smem:$0x3FB1]  }
0x31: {  	[smem:$0x3FBA] =	sst s10  }
0x32: {  	s10 =	sld [smem:$0x3FB8];
	_ =	sdelay $0x3  }
0x33: {  	p0 =	seq.s32 s10, $0x1;
	s10 =	sld [smem:$0x3FBA];
	_ =	sdelay $0x3  }
0x34: {  	[smem:$0x3FBA] =	sst s10  }
0x35: {  	s10 =	sld [smem:$0x3FB9];
	_ =	sdelay $0x3  }
0x36: {  	p1 =	seq.s32 s10, $0x1;
	s10 =	sld [smem:$0x3FBA];
	_ =	sdelay $0x3  }
0x37: {  	[smem:$0x3FBA] =	sst s10  }
0x38: {  	s10 =	sld [smem:$0x3FBB]  }
0x39: {  	_ = 	snop;
	(pc) =	sbr.ind lr, $3  }
0x3a: {  	_ = 	snop  }
0x3b: {  	_ = 	snop  }
0x3c: {  	p2 =	seq.s32 s10, $0x1;
	s10 =	sld [smem:$0x3FBA]  }
0x3d: {  	_ =	shalt  }
0x3e: {  	_ =	shalt  }
0x3f: {  	_ =	shalt  }
0x40: {  	_ =	shalt  }
0x41: {  	_ =	shalt  }
0x42: {  	_ =	shalt  }
0x43: {  	_ =	shalt  }
0x44: {  	_ =	shalt  }
0x45: {  	_ =	shalt  }
0x46: {  	_ =	shalt  }
0x47: {  	_ =	shalt  }
0x48: {  	_ =	shalt  }
0x49: {  	_ =	shalt  }
0x4a: {  	_ =	shalt  }
0x4b: {  	_ =	shalt  }
0x4c: {  	_ =	shalt  }
0x4d: {  	_ =	shalt  }
0x4e: {  	_ =	shalt  }
0x4f: {  	_ =	shalt  }
0x50: {  	_ =	shalt  }
0x51: {  	_ =	shalt  }
0x52: {  	_ =	shalt  }
0x53: {  	_ =	shalt  }
0x54: {  	_ =	shalt  }
0x55: {  	_ =	shalt  }
0x56: {  	_ =	shalt  }
0x57: {  	_ =	shalt  }
0x58: {  	_ =	shalt  }
0x59: {  	_ =	shalt  }
0x5a: {  	_ =	shalt  }
0x5b: {  	_ =	shalt  }
0x5c: {  	_ =	shalt  }
0x5d: {  	_ =	shalt  }
0x5e: {  	_ =	shalt  }
0x5f: {  	_ =	shalt  }
0x60: {  	_ =	shalt  }
0x61: {  	_ =	shalt  }
0x62: {  	_ =	shalt  }
0x63: {  	_ =	shalt  }
0x64: {  	_ =	shalt  }
0x65: {  	_ =	shalt  }
0x66: {  	_ =	shalt  }
0x67: {  	_ =	shalt  }
0x68: {  	_ =	shalt  }
0x69: {  	_ =	shalt  }
0x6a: {  	_ =	shalt  }
0x6b: {  	_ =	shalt  }
0x6c: {  	_ =	shalt  }
0x6d: {  	_ =	shalt  }
0x6e: {  	_ =	shalt  }
0x6f: {  	_ =	shalt  }
0x70: {  	_ =	shalt  }
0x71: {  	_ =	shalt  }
0x72: {  	_ =	shalt  }
0x73: {  	_ =	shalt  }
0x74: {  	_ =	shalt  }
0x75: {  	_ =	shalt  }
0x76: {  	_ =	shalt  }
0x77: {  	_ =	shalt  }
0x78: {  	_ =	shalt  }
0x79: {  	_ =	shalt  }
0x7a: {  	_ =	shalt  }
0x7b: {  	_ =	shalt  }
0x7c: {  	_ =	shalt  }
0x7d: {  	_ =	shalt  }
0x7e: {  	_ =	shalt  }
0x7f: {  	_ =	shalt  }
0x80: {  	_ =	shalt  }
0x81: {  	_ =	shalt  }
0x82: {  	_ =	shalt  }
0x83: {  	_ =	shalt  }
0x84: {  	_ =	shalt  }
0x85: {  	_ =	shalt  }
0x86: {  	_ =	shalt  }
0x87: {  	_ =	shalt  }
.Lfunc_end0:
.L_simem_size_0:
called_computation_lowered:
.L_overlay_start_0:
0x88: {  	s2 =	sld [smem:$0x3FD9]  }
0x89: {  	s3 =	sld [smem:$0x3FFE];
	_ =	sdelay $0x1  }
0x8a: {  	s1 =	srdreg.scid  }
0x8b: {  	s0 =	sand.u32 $0x1, s1  }
0x8c: {  	s17 =	sshll.u32 s0, $0xA;
	s2 =	sadd.s32 s3, s2  }
0x8d: {  	s2 =	sadd.s32 s2, s17  }
0x8e: {  	[smem:$0x3FC6] =	sst s2  }
0x8f: {  	_ = 	snop  }
0x90: {  	s2 =	sld [smem:$0x3FC8]  }
0x91: {  	s18 =	sld [smem:$0x3FD0];
	(tm) =	ssettm $0x1  }
0x92: {  	s4 =	sld [smem:$0x3FFB];
	_ =	sdelay $0x3  }
0x93: {  	_ =	strace s4  }
0x94: {  	s4 =	sld [smem:$0x3FFC];
	_ =	sdelay $0x3  }
0x95: {  	_ =	strace s4  }
0x96: {  	s4 =	sld [smem:$0x3FFD];
	_ =	sdelay $0x3  }
0x97: {  	_ =	strace s4  }
0x98: {  	_ =	strace $0x8FFFFFFF  }
0x99: {  	s19 =	sld [smem:$0x3FDB];
	_ =	sdelay $0x1  }
0x9a: {  	s5 =	simm.s32 $_scs_section_size  }
0x9b: {  	s6 =	simm.s32 $_size__tile_overlayer_lowered;
	s7 =	simm.s32 $_tile_overlayer_lowered  }
0x9c: {  	s22 =	simm.s32 $0x1BFF;
	s21 =	sshll.u32 s7, $0x1;
	s4 =	sadd.s32 s5, s19  }
0x9d: {  	s8 =	simm.s32 $0x0;
	s20 =	sshll.u32 s6, $0x1;
	s6 =	sadd.s32 s21, s4  }
0x9e: {  	[timem:s8], [sflag:s22] =	dma.local [hbm:s6], s20  }
0x9f: {  	_ =	swait.ge [sflag:s22], s20  }
0xa0: {  	s5 =	ssub.s32 $0x0, s20;
	[sflag:s22] =	ssyncset.done $0x0  }
0xa1: {  	[sflag:s22] =	ssyncadd.s32 s5;
	_ =	sdelay $0x1  }
0xa2: {  	s23 =	simm.s32 $0x1B8B  }
0xa3: {  	_ =	swait.ge [sflag:s23], $0x1  }
0xa4: {  	[sflag:s23] =	ssyncset.done $0x0  }
0xa5: {  	s25 =	simm.s32 $0x1B8E;
	s24 =	sld [smem:$0x3FFE];
	[sflag:s23] =	ssyncadd.s32 $0xFFFFFFFF  }
0xa6: {  	s26 =	simm.s32 $execute0_lowered;
	[smem:$0x3FD2] =	sst s25  }
0xa7: {  	s6 =	sshll.u32 s26, $0x1;
	_ =	strace $0x80000046;
	[dreg:$0x1] =	wrdreg $0xFFFFFFFF  }
0xa8: {  	s28 =	simm.s32 $_size_execute0_lowered;
	s4 =	sadd.s32 s4, s6;
	[dreg:$0x0] =	wrdreg $0x0  }
0xa9: {  	s6 =	sshll.u32 s28, $0x1;
	[dreg:$0x2] =	wrdreg s4  }
0xaa: {  	[dreg:$0x3] =	wrdreg s6  }
0xab: {  	[dreg:$0x4] =	wrdreg $0xC0  }
0xac: {  	_ =	task [dreg:s8], $0x5FFFF  }
0xad: {  	[dreg:$0x1] =	wrdreg $0xFFFFFFFF  }
0xae: {  	[dreg:$0x0] =	wrdreg $0x60  }
0xaf: {  	[dreg:$0x2] =	wrdreg s24  }
0xb0: {  	[dreg:$0x3] =	wrdreg s2  }
0xb1: {  	[dreg:$0x4] =	wrdreg s18  }
0xb2: {  	[dreg:$0x5] =	wrdreg $0x9  }
0xb3: {  	_ =	task.clear_ibuf [dreg:s8], $0x6FFFF;
	_ =	strace $0x90000046  }
0xb4: {  	s29 =	simm.s32 $0x9;
	_ =	strace $0x80000048  }
0xb5: {  	_ =	swait.ge [sflag:s29], $0x1  }
0xb6: {  	[sflag:s29] =	ssyncadd.s32 $0xFFFFFFFF  }
0xb7: {  	_ =	strace $0x90000048  }
0xb8: {  	_ =	sfence  }
0xb9: {  	s30 =	sld [smem:$0x0];
	_ =	sdelay $0x2  }
0xba: {  	s31 =	sshll.u32 s1, $0xD;
	s1 =	sshrl.u32 s1, $0x2  }
0xbb: {  	s3 =	sand.u32 $0x4000, s31;
	s1 =	sadd.s32 s1, s30  }
0xbc: {  	s0 =	sor.u32 s3, s0;
	s1 =	sshll.u32 s1, $0x11  }
0xbd: {  	s0 =	sor.u32 s1, s0  }
0xbe: {  	s0 =	sadd.s32 $0x8F2B, s0  }
0xbf: {  	[sflag:s0] =	ssyncadd.remote.s32 $0x1  }
0xc0: {  	_ =	sfence.sel $0xFFFF  }
0xc1: {  	[dreg:$0x0] =	wrdreg $0xFFFFFFFF;
	(pc) =	sbr.abs _section_cstart, $3  }
0xc2: {  	[dreg:$0x1] =	wrdreg $0xFFFFFFFF  }
0xc3: {  	_ =	task.clear_ibuf [dreg:s8], $0x2FFFF;
	_ =	strace $0x9FFFFFFF  }
0xc4: {  	(tm) =	ssettm $0x7FFFFFFF  }
0xc5: {  	_ =	shalt  }
tec
execute0_lowered:
.L_overlay_start_1:
0x0: {  	(tag) =	ssettag $0x1  }
0x1: {  	s0 =	rddreg [dreg:$0x0]  }
0x2: {  	s2 =	rddreg [dreg:$0x1]  }
0x3: {  	s1 =	rddreg [dreg:$0x2];
	s3 =	srdreg.scid  }
0x4: {  	s10 =	stileid.u32;
	s11 =	simm.s32 $0x6;
	s12 =	simm.s32 $0x80  }
0x5: {  	s13 =	simm.s32 $0x1C00;
	s14 =	simm.s32 $0x5C00;
	s16 =	simm.s32 $0x9C00  }
0x6: {  	s18 =	simm.s32 $0xDC00;
	s20 =	simm.s32 $0x11C00;
	s21 =	simm.s32 $0x1  }
0x7: {  	s22 =	simm.s32 $0x2;
	s23 =	simm.s32 $0x3;
	s24 =	simm.s32 $0x4  }
0x8: {  	s25 =	simm.s32 $0x5;
	s26 =	simm.s32 $0x0;
	s5 =	smul.u32 $0x3200, s10  }
0x9: {  	s6 =	sand.u32 $0x1, s3;
	s4 =	sshll.u32 s10, $0x1;
	s10 =	smul.u32 $0x32000, s10  }
0xa: {  	s3 =	simm.s32 $0x0;
	s4 =	sor.u32 s6, s4;
	s7 =	smul.u32 $0x1900, s6  }
0xb: {  	[smem:$0x7FF] =	sst s3;
	s8 =	ssub.s32 $0x2, s6;
	s4 =	smul.u32 $0x380, s4  }
0xc: {  	s6 =	smul.u32 $0x19000, s6;
	_ =	strace $0x80000047;
	s9 =	sshrl.u32 s8, $0x1  }
.Ltmp0:
0xd: {  	s5 =	sadd.s32 s7, s5;
	s0 =	sadd.s32 s4, s0;
	(pc) =	sbr.rel .LBB2_1-.Ltmp0, $4  }
0xe: {  	s30 =	ssub.s32 s8, s9;
	s5 =	sshll.u32 s5, $0x4;
	s0 =	sadd.s32 $0x400, s0  }
0xf: {  	s31 =	sadd.s32 s5, s1;
	s5 =	smax.u32 s30, $0x1;
	s1 =	sadd.s32 s10, s1  }
0x10: {  	[dreg:$0x4] =	wrdreg s0;
	s0 =	sadd.s32 $0x2000, s31;
	s7 =	sadd.s32 $0x1800, s31  }
0x11: {  	s8 =	sadd.s32 $0x1000, s31;
	s9 =	sadd.s32 $0x800, s31;
	s10 =	sadd.s32 s6, s1  }
.LBB2_4:
0x12: {  	s26 =	sadd.s32 $0x1, s26  }
0x13: {  	p0 =	sne.s32 s26, s5  }
.Ltmp1:
0x14: {  	_ = 	snop;
	(pc) =	sbr.rel @!p0 .LBB2_5-.Ltmp1, $1  }
0x15: {  	_ =	sdelay $0x3  }
.LBB2_1:
0x16: {  	s1 =	rddreg [dreg:$0x4]  }
0x17: {  	[tilespmem:s3], [sflag:$0x6] =	stream.linear.gather [hbm4b:s1+s3], $0x1900, $0x38;
	[tilespmem:$0x15C00] =	vst v63  }
0x18: {  	_ =	swait.ge [sflag:s11], $0x1900  }
0x19: {  	[sflag:s11] =	ssyncset.done $0x0  }
0x1a: {  	[sflag:s11] =	ssyncadd.s32 $0xFFFFE700  }
0x1b: {  	[tilespmem:s13], [sflag:$0x1] =	stream.indirect.gather [hbm4b:s2+s12], $0x80, s3, s12, $0xb8;
	[tilespmem:$0x15C00] =	vst v63  }
0x1c: {  	_ = 	snop  }
0x1d: {  	[tilespmem:s14], [sflag:$0x2] =	stream.indirect.gather [hbm4b:s2+s12], $0x80, s12, s12, $0xb8;
	[tilespmem:$0x15C00] =	vst v63  }
0x1e: {  	s15 =	simm.s32 $0x100;
	s17 =	simm.s32 $0x180;
	s19 =	simm.s32 $0x200  }
0x1f: {  	[tilespmem:s16], [sflag:$0x3] =	stream.indirect.gather [hbm4b:s2+s12], $0x80, s15, s12, $0xb8;
	[tilespmem:$0x15C00] =	vst v63  }
0x20: {  	s28 =	smov.u32 s10;
	s29 =	smov.u32 s9;
	s30 =	smov.u32 s8  }
0x21: {  	[tilespmem:s18], [sflag:$0x4] =	stream.indirect.gather [hbm4b:s2+s12], $0x80, s17, s12, $0xb8;
	[tilespmem:$0x15C00] =	vst v63  }
0x22: {  	s31 =	smov.u32 s7;
	s6 =	smov.u32 s0;
	s1 =	simm.s32 $0x0  }
0x23: {  	[tilespmem:s20], [sflag:$0x5] =	stream.indirect.gather [hbm4b:s2+s12], $0x80, s19, s12, $0xb8;
	[tilespmem:$0x15C00] =	vst v63  }
.LBB2_2:
0x24: {  	_ =	swait.ge [sflag:s21], $0x4000  }
0x25: {  	[sflag:s21] =	ssyncset.done $0x0  }
0x26: {  	[sflag:s21] =	ssyncadd.s32 $0xFFFFC000  }
0x27: {  	[hbm4b:s28+s3] =	stream.linear.scatter [tilespmem:s13], [sflag:$0x6], $0x4000, $0x38;
	[tilespmem:$0x15C00] =	vst v63  }
0x28: {  	p0 =	seq.s32 s1, $0x5A00;
	_ =	swait.ge [sflag:s11], $0x4000  }
0x29: {  	s15 =	sshra.s32 @!p0 s1, $0x2;
	s19 =	simm.s32 @!p0 $0x80;
	[sflag:s11] =	ssyncset.done $0x0  }
0x2a: {  	s4 =	simm.s32 @!p0 $0x1C00;
	s17 =	sadd.s32 @!p0 $0x280, s15;
	[sflag:s11] =	ssyncadd.s32 $0xFFFFC000  }
0x2b: {  	[tilespmem:s4], [sflag:$0x1] =	stream.indirect.gather @!p0 [hbm4b:s2+s19], $0x80, s17, s19, $0xb8;
	[tilespmem:$0x15C00] =	vst v63  }
0x2c: {  	_ =	swait.ge [sflag:s22], $0x4000  }
0x2d: {  	[sflag:s22] =	ssyncset.done $0x0  }
0x2e: {  	[sflag:s22] =	ssyncadd.s32 $0xFFFFC000  }
0x2f: {  	[hbm4b:s29+s3] =	stream.linear.scatter [tilespmem:s14], [sflag:$0x6], $0x4000, $0x38;
	[tilespmem:$0x15C00] =	vst v63  }
0x30: {  	_ =	swait.ge [sflag:s11], $0x4000  }
0x31: {  	[sflag:s11] =	ssyncset.done $0x0  }
0x32: {  	s4 =	sadd.s32 @!p0 $0x300, s15;
	s17 =	simm.s32 @!p0 $0x5C00;
	[sflag:s11] =	ssyncadd.s32 $0xFFFFC000  }
0x33: {  	[tilespmem:s17], [sflag:$0x2] =	stream.indirect.gather @!p0 [hbm4b:s2+s19], $0x80, s4, s19, $0xb8;
	[tilespmem:$0x15C00] =	vst v63  }
0x34: {  	_ =	swait.ge [sflag:s23], $0x4000  }
0x35: {  	[sflag:s23] =	ssyncset.done $0x0  }
0x36: {  	[sflag:s23] =	ssyncadd.s32 $0xFFFFC000  }
0x37: {  	[hbm4b:s30+s3] =	stream.linear.scatter [tilespmem:s16], [sflag:$0x6], $0x4000, $0x38;
	[tilespmem:$0x15C00] =	vst v63  }
0x38: {  	_ =	swait.ge [sflag:s11], $0x4000  }
0x39: {  	[sflag:s11] =	ssyncset.done $0x0  }
0x3a: {  	s4 =	sadd.s32 @!p0 $0x380, s15;
	s17 =	simm.s32 @!p0 $0x9C00;
	[sflag:s11] =	ssyncadd.s32 $0xFFFFC000  }
0x3b: {  	[tilespmem:s17], [sflag:$0x3] =	stream.indirect.gather @!p0 [hbm4b:s2+s19], $0x80, s4, s19, $0xb8;
	[tilespmem:$0x15C00] =	vst v63  }
0x3c: {  	_ =	swait.ge [sflag:s24], $0x4000  }
0x3d: {  	[sflag:s24] =	ssyncset.done $0x0  }
0x3e: {  	[sflag:s24] =	ssyncadd.s32 $0xFFFFC000  }
0x3f: {  	[hbm4b:s31+s3] =	stream.linear.scatter [tilespmem:s18], [sflag:$0x6], $0x4000, $0x38;
	[tilespmem:$0x15C00] =	vst v63  }
0x40: {  	_ =	swait.ge [sflag:s11], $0x4000  }
0x41: {  	[sflag:s11] =	ssyncset.done $0x0  }
0x42: {  	s4 =	sadd.s32 @!p0 $0x400, s15;
	s15 =	simm.s32 @!p0 $0xDC00;
	[sflag:s11] =	ssyncadd.s32 $0xFFFFC000  }
0x43: {  	[tilespmem:s15], [sflag:$0x4] =	stream.indirect.gather @!p0 [hbm4b:s2+s19], $0x80, s4, s19, $0xb8;
	[tilespmem:$0x15C00] =	vst v63  }
0x44: {  	_ =	swait.ge [sflag:s25], $0x4000  }
0x45: {  	[sflag:s25] =	ssyncset.done $0x0  }
.Ltmp2:
0x46: {  	[sflag:s25] =	ssyncadd.s32 $0xFFFFC000;
	(pc) =	sbr.rel @p0 .LBB2_4-.Ltmp2, $4  }
0x47: {  	[hbm4b:s6+s3] =	stream.linear.scatter [tilespmem:s20], [sflag:$0x6], $0x4000, $0x38;
	[tilespmem:$0x15C00] =	vst v63  }
0x48: {  	_ =	swait.ge [sflag:s11], $0x4000  }
0x49: {  	[sflag:s11] =	ssyncset.done $0x0  }
0x4a: {  	[sflag:s11] =	ssyncadd.s32 $0xFFFFC000  }
.Ltmp3:
0x4b: {  	(pc) =	sbr.rel .LBB2_2-.Ltmp3, $4  }
0x4c: {  	s4 =	sshra.s32 s1, $0x2;
	s1 =	sadd.s32 $0xA00, s1  }
0x4d: {  	s6 =	sadd.s32 $0x2800, s6;
	s31 =	sadd.s32 $0x2800, s31;
	s30 =	sadd.s32 $0x2800, s30  }
0x4e: {  	s29 =	sadd.s32 $0x2800, s29;
	s28 =	sadd.s32 $0x2800, s28;
	s4 =	sadd.s32 $0x480, s4  }
0x4f: {  	[tilespmem:s20], [sflag:$0x5] =	stream.indirect.gather [hbm4b:s2+s12], $0x80, s4, s12, $0xb8;
	[tilespmem:$0x15C00] =	vst v63  }
.LBB2_5:
0x50: {  	_ =	sfence.sel $0x180000  }
0x51: {  	[bflag:$0x0] =	sbarrier.arrive $0xFFFF  }
0x52: {  	_ =	strace $0x90000047  }
0x53: {  	s0 =	stileid.u32;
	[bflag:$0x2] =	sbarrier.arrive $0xFFFF  }
0x54: {  	p0 =	sne.s32 s0, $0x0;
	s0 =	rddreg [dreg:$0x3]  }
0x55: {  	s0 =	sadd.s32 @!p0 $0x100000, s0  }
0x56: {  	[sflag:s0] =	ssyncadd.tile.s32 @!p0 $0x1;
	_ =	shalt  }
.Lfunc_end2:
_tile_overlayer_lowered:
.L_overlay_start_2:
0x57: {  	(tag) =	ssettag $0x2  }
0x58: {  	s0 =	rddreg [dreg:$0x0];
	s2 =	stileid.u32  }
0x59: {  	s1 =	rddreg [dreg:$0x1];
	p0 =	sne.s32 s2, $0x0  }
0x5a: {  	s3 =	rddreg [dreg:$0x2];
	[bflag:$0x3] =	sbarrier.arrive $0xFFFF;
	s2 =	simm.s32 @!p0 $0x1C06  }
0x5b: {  	[timem:s3], [sflag:s2] =	dma.local @!p0 [hbm:s0], s1  }
0x5c: {  	s0 =	simm.s32 @!p0 $0x6  }
0x5d: {  	_ =	swait.ge @!p0 [sflag:s0], s1  }
0x5e: {  	s1 =	ssub.s32 @!p0 $0x0, s1;
	[sflag:s0] =	ssyncset.done @!p0 $0x0  }
0x5f: {  	[sflag:s0] =	ssyncadd.s32 @!p0 s1  }
0x60: {  	[bflag:$0x3] =	sbarrier.arrive $0xFFFF  }
0x61: {  	_ =	shalt  }

</sc_bundles>
